<compile_context>
chip_gen: v7x
topology: tpu7x:2x2x1
jax: 0.10.2.dev20260603
libtpu: 0.0.44.dev20260713+nightly
codegen_flags: <defaults>
</compile_context>

<pallas_src>
import jax
import jax.numpy as jnp
from jax import lax
from jax.experimental import pallas as pl
from jax.experimental.pallas import tpu as pltpu
from jax.experimental.pallas import tpu_sc as plsc

SEQ = 2048
N_HEAD = 32
BR = 1024
DEMO_PAD = 64
LANES = 16
ROWS_PER_BATCH = 16


def _sc_row_gather_body(attn2d, fin_hbm, rows_hbm, fin_v, idx_v,
                        buf0, buf1, gs0, gs1, ws0, ws1):
    c = lax.axis_index("c")
    s = lax.axis_index("s")
    h = s * 2 + c
    pltpu.sync_copy(fin_hbm, fin_v)
    for j in range(DEMO_PAD // LANES):
        sl = pl.ds(j * LANES, LANES)
        idx_v[sl] = h * SEQ + fin_v[sl]
    bufs = (buf0, buf1)
    gsems = (gs0, gs1)
    wsems = (ws0, ws1)
    n_batch = DEMO_PAD // ROWS_PER_BATCH

    def gather(b):
        return pltpu.async_copy(
            attn2d.at[idx_v[pl.ds(b * ROWS_PER_BATCH, ROWS_PER_BATCH)]],
            bufs[b % 2], gsems[b % 2])

    def write(b):
        return pltpu.async_copy(
            bufs[b % 2],
            rows_hbm.at[pl.ds(h * DEMO_PAD + b * ROWS_PER_BATCH,
                              ROWS_PER_BATCH)],
            wsems[b % 2])

    gh = {0: gather(0)}
    wh = {}
    for b in range(n_batch):
        gh[b].wait()
        wh[b] = write(b)
        nb = b + 1
        if nb < n_batch:
            if nb >= 2:
                wh[nb - 2].wait()
            gh[nb] = gather(nb)
    wh[n_batch - 2].wait()
    wh[n_batch - 1].wait()


def _sc_row_gather(attn2d, fin_pad):
    mesh = plsc.VectorSubcoreMesh(core_axis_name="c", subcore_axis_name="s")
    return pl.kernel(
        _sc_row_gather_body,
        out_type=jax.ShapeDtypeStruct((N_HEAD * DEMO_PAD, SEQ), jnp.float32),
        mesh=mesh,
        compiler_params=pltpu.CompilerParams(use_tc_tiling_on_sc=True),
        scratch_types=[
            pltpu.VMEM((DEMO_PAD,), jnp.int32),
            pltpu.VMEM((DEMO_PAD,), jnp.int32),
            pltpu.VMEM((ROWS_PER_BATCH, SEQ), jnp.float32),
            pltpu.VMEM((ROWS_PER_BATCH, SEQ), jnp.float32),
            pltpu.SemaphoreType.DMA,
            pltpu.SemaphoreType.DMA,
            pltpu.SemaphoreType.DMA,
            pltpu.SemaphoreType.DMA,
        ],
    )(attn2d, fin_pad)


def _copy_fixup_body(final_ref, class_ref, attn_ref, rows_ref, w_ref, out_ref):
    rb = pl.program_id(1)
    out_ref[...] = attn_ref[...]
    base = rb * BR
    wrow = jnp.exp(w_ref[0, :, :])
    col = lax.broadcasted_iota(jnp.int32, (1, SEQ), 1)
    n_demo = final_ref.shape[0]
    for d in range(n_demo):
        f = final_ref[d]
        c = class_ref[d]

        @pl.when((f >= base) & (f < base + BR))
        def _(d=d, f=f, c=c):
            rl = f - base
            cur = out_ref[0, 0, pl.ds(rl, 1), :]
            vd = rows_ref[d:d + 1, :] * wrow[:, d:d + 1]
            out_ref[0, 0, pl.ds(rl, 1), :] = jnp.where(col == c, vd, cur)


def kernel(attn_weights, class_poss, final_poss, weight):
    n_head = attn_weights.shape[1]
    seq = attn_weights.shape[2]
    n_demo = class_poss.shape[0]
    pad = DEMO_PAD - n_demo
    fin_pad = jnp.concatenate(
        [final_poss, jnp.broadcast_to(final_poss[-1:], (pad,))])
    wpad = jnp.zeros((n_head, 1, DEMO_PAD), jnp.float32)
    wpad = wpad.at[:, 0, :n_demo].set(weight)

    rows = _sc_row_gather(attn_weights.reshape(n_head * seq, seq), fin_pad)

    grid_spec = pltpu.PrefetchScalarGridSpec(
        num_scalar_prefetch=2,
        grid=(n_head, seq // BR),
        in_specs=[
            pl.BlockSpec((1, 1, BR, seq), lambda h, rb, *_: (0, h, rb, 0)),
            pl.BlockSpec((DEMO_PAD, seq), lambda h, rb, *_: (h, 0)),
            pl.BlockSpec((1, 1, DEMO_PAD), lambda h, rb, *_: (h, 0, 0)),
        ],
        out_specs=pl.BlockSpec((1, 1, BR, seq), lambda h, rb, *_: (0, h, rb, 0)),
    )
    return pl.pallas_call(
        _copy_fixup_body,
        grid_spec=grid_spec,
        out_shape=jax.ShapeDtypeStruct(attn_weights.shape, attn_weights.dtype),
    )(final_poss, class_poss, attn_weights, rows, wpad)

# --- scband reference (transcript-rebuilt; emitter-appended) ---
"""Pipeline reference for scband-attention-adapter-79319456022725 (READ-ONLY COPY).

The authoritative reference and input builder live on the scoring server;
editing this copy changes nothing except your own understanding.
"""

import jax, jax.numpy as jnp
import numpy as np

N_DEMO = 50
N_HEAD = 32
SEQ = 2048


def setup_inputs(seed: int = 0) -> dict:
    key = jax.random.key(seed)
    k1, k2, k3 = jax.random.split(key, 3)
    attn_weights = jax.random.normal(k1, (1, N_HEAD, SEQ, SEQ), dtype=jnp.float32)
    class_poss = jax.random.randint(k2, (N_DEMO,), 0, SEQ, dtype=jnp.int32)
    final_poss = jax.random.randint(k3, (N_DEMO,), 0, SEQ, dtype=jnp.int32)
    # learned parameter: torch initializes to zeros((n_head, n_demo))
    weight = jnp.zeros((N_HEAD, N_DEMO), dtype=jnp.float32)
    return {
        "attn_weights": attn_weights,
        "class_poss": class_poss,
        "final_poss": final_poss,
        "weight": weight,
    }


def reference(attn_weights, class_poss, final_poss, weight):
    # weight.exp()
    w = jnp.exp(weight)
    bsz, n_head, seq_len, _ = attn_weights.shape
    # mask_mat = ones((1, n_head, seq_len, seq_len))
    mask_mat = jnp.ones((1, n_head, seq_len, seq_len), dtype=attn_weights.dtype)
    # mask_mat[:, :, final_poss, class_poss] = weight.reshape(1, n_head, n_demo)
    mask_mat = mask_mat.at[:, :, final_poss, class_poss].set(
        w.reshape(1, n_head, -1)
    )
    return attn_weights * mask_mat

if __name__ == "__main__":
    import jax
    _d = setup_inputs()
    print(jax.jit(kernel)(*tuple(_d.values())))

</pallas_src>

<mosaic_0001>
#map = affine_map<(d0, d1) -> (0, 0)>
#map1 = affine_map<(d0, d1) -> (0)>
module attributes {stable_mosaic.version = 14 : i64} {
  func.func @_sc_row_gather_body(%arg0: i32, %arg1: i32, %arg2: memref<65536x2048xf32, #tpu.memory_space<hbm>>, %arg3: memref<64xi32, #tpu.memory_space<hbm>>, %arg4: memref<2048x2048xf32, #tpu.memory_space<hbm>>, %arg5: memref<64xi32, #tpu.memory_space<vmem>>, %arg6: memref<64xi32, #tpu.memory_space<vmem>>, %arg7: memref<16x2048xf32, #tpu.memory_space<vmem>>, %arg8: memref<16x2048xf32, #tpu.memory_space<vmem>>, %arg9: memref<!tpu.dma_semaphore, #tpu.memory_space<semaphore_mem>>, %arg10: memref<!tpu.dma_semaphore, #tpu.memory_space<semaphore_mem>>, %arg11: memref<!tpu.dma_semaphore, #tpu.memory_space<semaphore_mem>>, %arg12: memref<!tpu.dma_semaphore, #tpu.memory_space<semaphore_mem>>) attributes {dimension_semantics = [#tpu.dimension_semantics<core_parallel>, #tpu.dimension_semantics<subcore_parallel>], iteration_bounds = array<i64: 2, 16>, scalar_prefetch = 0 : i64, scratch_operands = 8 : i64, tpu.core_type = #tpu.core_type<sc_vector_subcore>, window_params = [{transform_indices = #map}, {transform_indices = #map1}, {transform_indices = #map}]} {
    %mul3A = arith.constant 2 : i32
    %mul3A_0 = arith.muli %arg1, %mul3A : i32
    %add3A = arith.addi %mul3A_0, %arg0 : i32
    "tpu.region"() ({
      %run_scoped3A = tpu.sem_alloc : memref<!tpu.dma_semaphore, #tpu.memory_space<semaphore_mem>>
      tpu.enqueue_dma source(%arg3 : memref<64xi32, #tpu.memory_space<hbm>>) target(%arg5 : memref<64xi32, #tpu.memory_space<vmem>>) target_semaphore(%run_scoped3A : memref<!tpu.dma_semaphore, #tpu.memory_space<semaphore_mem>>)
      tpu.wait_dma2 semaphore(%run_scoped3A : memref<!tpu.dma_semaphore, #tpu.memory_space<semaphore_mem>>) src(%arg3 : memref<64xi32, #tpu.memory_space<hbm>>) dst(%arg5 : memref<64xi32, #tpu.memory_space<vmem>>)
      tpu.yield
    }) : () -> ()
    %mul3A_1 = arith.constant 2048 : i32
    %mul3A_2 = arith.muli %add3A, %mul3A_1 : i32
    %get3A = arith.constant 0 : index
    %get3A_3 = tpu.vector_load %arg5[%get3A] {strides = array<i32>} : memref<64xi32, #tpu.memory_space<vmem>>, vector<16xi32>,
    %get3A_4 = vector.shape_cast %get3A_3 : vector<16xi32> to vector<16xi32>
    %add3A_5 = vector.broadcast %mul3A_2 : i32 to vector<16xi32>
    %add3A_6 = arith.addi %add3A_5, %get3A_4 : vector<16xi32>
    %swap3A = arith.constant 0 : index
    %swap3A_7 = tpu.vector_load %arg6[%swap3A] {strides = array<i32>} : memref<64xi32, #tpu.memory_space<vmem>>, vector<16xi32>,
    %swap3A_8 = vector.shape_cast %swap3A_7 : vector<16xi32> to vector<16xi32>
    %swap3A_9 = vector.shape_cast %add3A_6 : vector<16xi32> to vector<16xi32>
    tpu.vector_store %arg6[%swap3A], %swap3A_9 {strides = array<i32>} : memref<64xi32, #tpu.memory_space<vmem>>, vector<16xi32>,
    %mul3A_10 = arith.constant 2048 : i32
    %mul3A_11 = arith.muli %add3A, %mul3A_10 : i32
    %get3A_12 = arith.constant 16 : index
    %get3A_13 = tpu.vector_load %arg5[%get3A_12] {strides = array<i32>} : memref<64xi32, #tpu.memory_space<vmem>>, vector<16xi32>,
    %get3A_14 = vector.shape_cast %get3A_13 : vector<16xi32> to vector<16xi32>
    %add3A_15 = vector.broadcast %mul3A_11 : i32 to vector<16xi32>
    %add3A_16 = arith.addi %add3A_15, %get3A_14 : vector<16xi32>
    %swap3A_17 = arith.constant 16 : index
    %swap3A_18 = tpu.vector_load %arg6[%swap3A_17] {strides = array<i32>} : memref<64xi32, #tpu.memory_space<vmem>>, vector<16xi32>,
    %swap3A_19 = vector.shape_cast %swap3A_18 : vector<16xi32> to vector<16xi32>
    %swap3A_20 = vector.shape_cast %add3A_16 : vector<16xi32> to vector<16xi32>
    tpu.vector_store %arg6[%swap3A_17], %swap3A_20 {strides = array<i32>} : memref<64xi32, #tpu.memory_space<vmem>>, vector<16xi32>,
    %mul3A_21 = arith.constant 2048 : i32
    %mul3A_22 = arith.muli %add3A, %mul3A_21 : i32
    %get3A_23 = arith.constant 32 : index
    %get3A_24 = tpu.vector_load %arg5[%get3A_23] {strides = array<i32>} : memref<64xi32, #tpu.memory_space<vmem>>, vector<16xi32>,
    %get3A_25 = vector.shape_cast %get3A_24 : vector<16xi32> to vector<16xi32>
    %add3A_26 = vector.broadcast %mul3A_22 : i32 to vector<16xi32>
    %add3A_27 = arith.addi %add3A_26, %get3A_25 : vector<16xi32>
    %swap3A_28 = arith.constant 32 : index
    %swap3A_29 = tpu.vector_load %arg6[%swap3A_28] {strides = array<i32>} : memref<64xi32, #tpu.memory_space<vmem>>, vector<16xi32>,
    %swap3A_30 = vector.shape_cast %swap3A_29 : vector<16xi32> to vector<16xi32>
    %swap3A_31 = vector.shape_cast %add3A_27 : vector<16xi32> to vector<16xi32>
    tpu.vector_store %arg6[%swap3A_28], %swap3A_31 {strides = array<i32>} : memref<64xi32, #tpu.memory_space<vmem>>, vector<16xi32>,
    %mul3A_32 = arith.constant 2048 : i32
    %mul3A_33 = arith.muli %add3A, %mul3A_32 : i32
    %get3A_34 = arith.constant 48 : index
    %get3A_35 = tpu.vector_load %arg5[%get3A_34] {strides = array<i32>} : memref<64xi32, #tpu.memory_space<vmem>>, vector<16xi32>,
    %get3A_36 = vector.shape_cast %get3A_35 : vector<16xi32> to vector<16xi32>
    %add3A_37 = vector.broadcast %mul3A_33 : i32 to vector<16xi32>
    %add3A_38 = arith.addi %add3A_37, %get3A_36 : vector<16xi32>
    %swap3A_39 = arith.constant 48 : index
    %swap3A_40 = tpu.vector_load %arg6[%swap3A_39] {strides = array<i32>} : memref<64xi32, #tpu.memory_space<vmem>>, vector<16xi32>,
    %swap3A_41 = vector.shape_cast %swap3A_40 : vector<16xi32> to vector<16xi32>
    %swap3A_42 = vector.shape_cast %add3A_38 : vector<16xi32> to vector<16xi32>
    tpu.vector_store %arg6[%swap3A_39], %swap3A_42 {strides = array<i32>} : memref<64xi32, #tpu.memory_space<vmem>>, vector<16xi32>,
    %get3A_43 = arith.constant 0 : index
    %get3A_44 = tpu.vector_load %arg6[%get3A_43] {strides = array<i32>} : memref<64xi32, #tpu.memory_space<vmem>>, vector<16xi32>,
    %get3A_45 = vector.shape_cast %get3A_44 : vector<16xi32> to vector<16xi32>
    %dma_start3A = arith.constant 0 : i32
    %dma_start3A_46 = arith.constant 0 : i32
    %dma_start3A_47 = tpu.memref_slice %arg2[%dma_start3A, %dma_start3A_46] : memref<65536x2048xf32, #tpu.memory_space<hbm>> -> memref<65536x2048xf32, #tpu.memory_space<hbm>>
    tpu.enqueue_indirect_dma source(%dma_start3A_47 : memref<65536x2048xf32, #tpu.memory_space<hbm>>) target(%arg7 : memref<16x2048xf32, #tpu.memory_space<vmem>>) offsets(%get3A_45 : vector<16xi32>) semaphore(%arg9 : memref<!tpu.dma_semaphore, #tpu.memory_space<semaphore_mem>>)
    %dma_wait3A = arith.constant 0 : i32
    %dma_wait3A_48 = arith.constant 0 : i32
    %dma_wait3A_49 = tpu.memref_slice %arg2[%dma_wait3A, %dma_wait3A_48] : memref<65536x2048xf32, #tpu.memory_space<hbm>> -> memref<65536x2048xf32, #tpu.memory_space<hbm>>
    tpu.wait_indirect_dma semaphore(%arg9 : memref<!tpu.dma_semaphore, #tpu.memory_space<semaphore_mem>>) src(%dma_wait3A_49 : memref<65536x2048xf32, #tpu.memory_space<hbm>>) dst(%arg7 : memref<16x2048xf32, #tpu.memory_space<vmem>>)
    %mul3A_50 = arith.constant 64 : i32
    %mul3A_51 = arith.muli %add3A, %mul3A_50 : i32
    %add3A_52 = arith.constant 0 : i32
    %add3A_53 = arith.addi %mul3A_51, %add3A_52 : i32
    %dma_start3A_54 = arith.constant 0 : i32
    %dma_start3A_55 = tpu.memref_slice %arg4[%add3A_53, %dma_start3A_54] : memref<2048x2048xf32, #tpu.memory_space<hbm>> -> memref<16x2048xf32, #tpu.memory_space<hbm>>
    %dma_start3A_56 = arith.constant 0 : i32
    %dma_start3A_57 = tpu.memref_slice %arg4[%add3A_53, %dma_start3A_56] : memref<2048x2048xf32, #tpu.memory_space<hbm>> -> memref<16x2048xf32, #tpu.memory_space<hbm>>
    tpu.enqueue_dma source(%arg7 : memref<16x2048xf32, #tpu.memory_space<vmem>>) target(%dma_start3A_57 : memref<16x2048xf32, #tpu.memory_space<hbm>>) target_semaphore(%arg11 : memref<!tpu.dma_semaphore, #tpu.memory_space<semaphore_mem>>)
    %get3A_58 = arith.constant 16 : index
    %get3A_59 = tpu.vector_load %arg6[%get3A_58] {strides = array<i32>} : memref<64xi32, #tpu.memory_space<vmem>>, vector<16xi32>,
    %get3A_60 = vector.shape_cast %get3A_59 : vector<16xi32> to vector<16xi32>
    %dma_start3A_61 = arith.constant 0 : i32
    %dma_start3A_62 = arith.constant 0 : i32
    %dma_start3A_63 = tpu.memref_slice %arg2[%dma_start3A_61, %dma_start3A_62] : memref<65536x2048xf32, #tpu.memory_space<hbm>> -> memref<65536x2048xf32, #tpu.memory_space<hbm>>
    tpu.enqueue_indirect_dma source(%dma_start3A_63 : memref<65536x2048xf32, #tpu.memory_space<hbm>>) target(%arg8 : memref<16x2048xf32, #tpu.memory_space<vmem>>) offsets(%get3A_60 : vector<16xi32>) semaphore(%arg10 : memref<!tpu.dma_semaphore, #tpu.memory_space<semaphore_mem>>)
    %dma_wait3A_64 = arith.constant 0 : i32
    %dma_wait3A_65 = arith.constant 0 : i32
    %dma_wait3A_66 = tpu.memref_slice %arg2[%dma_wait3A_64, %dma_wait3A_65] : memref<65536x2048xf32, #tpu.memory_space<hbm>> -> memref<65536x2048xf32, #tpu.memory_space<hbm>>
    tpu.wait_indirect_dma semaphore(%arg10 : memref<!tpu.dma_semaphore, #tpu.memory_space<semaphore_mem>>) src(%dma_wait3A_66 : memref<65536x2048xf32, #tpu.memory_space<hbm>>) dst(%arg8 : memref<16x2048xf32, #tpu.memory_space<vmem>>)
    %mul3A_67 = arith.constant 64 : i32
    %mul3A_68 = arith.muli %add3A, %mul3A_67 : i32
    %add3A_69 = arith.constant 16 : i32
    %add3A_70 = arith.addi %mul3A_68, %add3A_69 : i32
    %dma_start3A_71 = arith.constant 0 : i32
    %dma_start3A_72 = tpu.memref_slice %arg4[%add3A_70, %dma_start3A_71] : memref<2048x2048xf32, #tpu.memory_space<hbm>> -> memref<16x2048xf32, #tpu.memory_space<hbm>>
    %dma_start3A_73 = arith.constant 0 : i32
    %dma_start3A_74 = tpu.memref_slice %arg4[%add3A_70, %dma_start3A_73] : memref<2048x2048xf32, #tpu.memory_space<hbm>> -> memref<16x2048xf32, #tpu.memory_space<hbm>>
    tpu.enqueue_dma source(%arg8 : memref<16x2048xf32, #tpu.memory_space<vmem>>) target(%dma_start3A_74 : memref<16x2048xf32, #tpu.memory_space<hbm>>) target_semaphore(%arg12 : memref<!tpu.dma_semaphore, #tpu.memory_space<semaphore_mem>>)
    %dma_wait3A_75 = arith.constant 0 : i32
    %dma_wait3A_76 = tpu.memref_slice %arg4[%add3A_53, %dma_wait3A_75] : memref<2048x2048xf32, #tpu.memory_space<hbm>> -> memref<16x2048xf32, #tpu.memory_space<hbm>>
    %dma_wait3A_77 = arith.constant 0 : i32
    %dma_wait3A_78 = tpu.memref_slice %arg4[%add3A_53, %dma_wait3A_77] : memref<2048x2048xf32, #tpu.memory_space<hbm>> -> memref<16x2048xf32, #tpu.memory_space<hbm>>
    tpu.wait_dma2 semaphore(%arg11 : memref<!tpu.dma_semaphore, #tpu.memory_space<semaphore_mem>>) src(%arg7 : memref<16x2048xf32, #tpu.memory_space<vmem>>) dst(%dma_wait3A_78 : memref<16x2048xf32, #tpu.memory_space<hbm>>)
    %get3A_79 = arith.constant 32 : index
    %get3A_80 = tpu.vector_load %arg6[%get3A_79] {strides = array<i32>} : memref<64xi32, #tpu.memory_space<vmem>>, vector<16xi32>,
    %get3A_81 = vector.shape_cast %get3A_80 : vector<16xi32> to vector<16xi32>
    %dma_start3A_82 = arith.constant 0 : i32
    %dma_start3A_83 = arith.constant 0 : i32
    %dma_start3A_84 = tpu.memref_slice %arg2[%dma_start3A_82, %dma_start3A_83] : memref<65536x2048xf32, #tpu.memory_space<hbm>> -> memref<65536x2048xf32, #tpu.memory_space<hbm>>
    tpu.enqueue_indirect_dma source(%dma_start3A_84 : memref<65536x2048xf32, #tpu.memory_space<hbm>>) target(%arg7 : memref<16x2048xf32, #tpu.memory_space<vmem>>) offsets(%get3A_81 : vector<16xi32>) semaphore(%arg9 : memref<!tpu.dma_semaphore, #tpu.memory_space<semaphore_mem>>)
    %dma_wait3A_85 = arith.constant 0 : i32
    %dma_wait3A_86 = arith.constant 0 : i32
    %dma_wait3A_87 = tpu.memref_slice %arg2[%dma_wait3A_85, %dma_wait3A_86] : memref<65536x2048xf32, #tpu.memory_space<hbm>> -> memref<65536x2048xf32, #tpu.memory_space<hbm>>
    tpu.wait_indirect_dma semaphore(%arg9 : memref<!tpu.dma_semaphore, #tpu.memory_space<semaphore_mem>>) src(%dma_wait3A_87 : memref<65536x2048xf32, #tpu.memory_space<hbm>>) dst(%arg7 : memref<16x2048xf32, #tpu.memory_space<vmem>>)
    %mul3A_88 = arith.constant 64 : i32
    %mul3A_89 = arith.muli %add3A, %mul3A_88 : i32
    %add3A_90 = arith.constant 32 : i32
    %add3A_91 = arith.addi %mul3A_89, %add3A_90 : i32
    %dma_start3A_92 = arith.constant 0 : i32
    %dma_start3A_93 = tpu.memref_slice %arg4[%add3A_91, %dma_start3A_92] : memref<2048x2048xf32, #tpu.memory_space<hbm>> -> memref<16x2048xf32, #tpu.memory_space<hbm>>
    %dma_start3A_94 = arith.constant 0 : i32
    %dma_start3A_95 = tpu.memref_slice %arg4[%add3A_91, %dma_start3A_94] : memref<2048x2048xf32, #tpu.memory_space<hbm>> -> memref<16x2048xf32, #tpu.memory_space<hbm>>
    tpu.enqueue_dma source(%arg7 : memref<16x2048xf32, #tpu.memory_space<vmem>>) target(%dma_start3A_95 : memref<16x2048xf32, #tpu.memory_space<hbm>>) target_semaphore(%arg11 : memref<!tpu.dma_semaphore, #tpu.memory_space<semaphore_mem>>)
    %dma_wait3A_96 = arith.constant 0 : i32
    %dma_wait3A_97 = tpu.memref_slice %arg4[%add3A_70, %dma_wait3A_96] : memref<2048x2048xf32, #tpu.memory_space<hbm>> -> memref<16x2048xf32, #tpu.memory_space<hbm>>
    %dma_wait3A_98 = arith.constant 0 : i32
    %dma_wait3A_99 = tpu.memref_slice %arg4[%add3A_70, %dma_wait3A_98] : memref<2048x2048xf32, #tpu.memory_space<hbm>> -> memref<16x2048xf32, #tpu.memory_space<hbm>>
    tpu.wait_dma2 semaphore(%arg12 : memref<!tpu.dma_semaphore, #tpu.memory_space<semaphore_mem>>) src(%arg8 : memref<16x2048xf32, #tpu.memory_space<vmem>>) dst(%dma_wait3A_99 : memref<16x2048xf32, #tpu.memory_space<hbm>>)
    %get3A_100 = arith.constant 48 : index
    %get3A_101 = tpu.vector_load %arg6[%get3A_100] {strides = array<i32>} : memref<64xi32, #tpu.memory_space<vmem>>, vector<16xi32>,
    %get3A_102 = vector.shape_cast %get3A_101 : vector<16xi32> to vector<16xi32>
    %dma_start3A_103 = arith.constant 0 : i32
    %dma_start3A_104 = arith.constant 0 : i32
    %dma_start3A_105 = tpu.memref_slice %arg2[%dma_start3A_103, %dma_start3A_104] : memref<65536x2048xf32, #tpu.memory_space<hbm>> -> memref<65536x2048xf32, #tpu.memory_space<hbm>>
    tpu.enqueue_indirect_dma source(%dma_start3A_105 : memref<65536x2048xf32, #tpu.memory_space<hbm>>) target(%arg8 : memref<16x2048xf32, #tpu.memory_space<vmem>>) offsets(%get3A_102 : vector<16xi32>) semaphore(%arg10 : memref<!tpu.dma_semaphore, #tpu.memory_space<semaphore_mem>>)
    %dma_wait3A_106 = arith.constant 0 : i32
    %dma_wait3A_107 = arith.constant 0 : i32
    %dma_wait3A_108 = tpu.memref_slice %arg2[%dma_wait3A_106, %dma_wait3A_107] : memref<65536x2048xf32, #tpu.memory_space<hbm>> -> memref<65536x2048xf32, #tpu.memory_space<hbm>>
    tpu.wait_indirect_dma semaphore(%arg10 : memref<!tpu.dma_semaphore, #tpu.memory_space<semaphore_mem>>) src(%dma_wait3A_108 : memref<65536x2048xf32, #tpu.memory_space<hbm>>) dst(%arg8 : memref<16x2048xf32, #tpu.memory_space<vmem>>)
    %mul3A_109 = arith.constant 64 : i32
    %mul3A_110 = arith.muli %add3A, %mul3A_109 : i32
    %add3A_111 = arith.constant 48 : i32
    %add3A_112 = arith.addi %mul3A_110, %add3A_111 : i32
    %dma_start3A_113 = arith.constant 0 : i32
    %dma_start3A_114 = tpu.memref_slice %arg4[%add3A_112, %dma_start3A_113] : memref<2048x2048xf32, #tpu.memory_space<hbm>> -> memref<16x2048xf32, #tpu.memory_space<hbm>>
    %dma_start3A_115 = arith.constant 0 : i32
    %dma_start3A_116 = tpu.memref_slice %arg4[%add3A_112, %dma_start3A_115] : memref<2048x2048xf32, #tpu.memory_space<hbm>> -> memref<16x2048xf32, #tpu.memory_space<hbm>>
    tpu.enqueue_dma source(%arg8 : memref<16x2048xf32, #tpu.memory_space<vmem>>) target(%dma_start3A_116 : memref<16x2048xf32, #tpu.memory_space<hbm>>) target_semaphore(%arg12 : memref<!tpu.dma_semaphore, #tpu.memory_space<semaphore_mem>>)
    %dma_wait3A_117 = arith.constant 0 : i32
    %dma_wait3A_118 = tpu.memref_slice %arg4[%add3A_91, %dma_wait3A_117] : memref<2048x2048xf32, #tpu.memory_space<hbm>> -> memref<16x2048xf32, #tpu.memory_space<hbm>>
    %dma_wait3A_119 = arith.constant 0 : i32
    %dma_wait3A_120 = tpu.memref_slice %arg4[%add3A_91, %dma_wait3A_119] : memref<2048x2048xf32, #tpu.memory_space<hbm>> -> memref<16x2048xf32, #tpu.memory_space<hbm>>
    tpu.wait_dma2 semaphore(%arg11 : memref<!tpu.dma_semaphore, #tpu.memory_space<semaphore_mem>>) src(%arg7 : memref<16x2048xf32, #tpu.memory_space<vmem>>) dst(%dma_wait3A_120 : memref<16x2048xf32, #tpu.memory_space<hbm>>)
    %dma_wait3A_121 = arith.constant 0 : i32
    %dma_wait3A_122 = tpu.memref_slice %arg4[%add3A_112, %dma_wait3A_121] : memref<2048x2048xf32, #tpu.memory_space<hbm>> -> memref<16x2048xf32, #tpu.memory_space<hbm>>
    %dma_wait3A_123 = arith.constant 0 : i32
    %dma_wait3A_124 = tpu.memref_slice %arg4[%add3A_112, %dma_wait3A_123] : memref<2048x2048xf32, #tpu.memory_space<hbm>> -> memref<16x2048xf32, #tpu.memory_space<hbm>>
    tpu.wait_dma2 semaphore(%arg12 : memref<!tpu.dma_semaphore, #tpu.memory_space<semaphore_mem>>) src(%arg8 : memref<16x2048xf32, #tpu.memory_space<vmem>>) dst(%dma_wait3A_124 : memref<16x2048xf32, #tpu.memory_space<hbm>>)
    return
  }
}

module attributes {stable_mosaic.version = 14 : i64} {
  func.func @_copy_fixup_body(%arg0: i32, %arg1: i32, %arg2: memref<50xi32, #tpu.memory_space<smem>>, %arg3: memref<50xi32, #tpu.memory_space<smem>>, %arg4: memref<1x1x1024x2048xf32, #tpu.memory_space<vmem>>, %arg5: memref<64x2048xf32, #tpu.memory_space<vmem>>, %arg6: memref<1x1x64xf32, #tpu.memory_space<vmem>>, %arg7: memref<1x1x1024x2048xf32, #tpu.memory_space<vmem>>) attributes {dimension_semantics = [#tpu.dimension_semantics<arbitrary>, #tpu.dimension_semantics<arbitrary>], iteration_bounds = array<i64: 32, 2>, scalar_prefetch = 2 : i64, scratch_operands = 0 : i64, tpu.core_type = #tpu.core_type<tc>, window_params = [{transform_indices = @transform_0, window_bounds = array<i64: 1, 1, 1024, 2048>}, {transform_indices = @transform_1, window_bounds = array<i64: 64, 2048>}, {transform_indices = @transform_2, window_bounds = array<i64: 1, 1, 64>}, {transform_indices = @transform_3, window_bounds = array<i64: 1, 1, 1024, 2048>}]} {
    %get3A = arith.constant 0 : index
    %get3A_0 = arith.constant 0 : index
    %get3A_1 = arith.constant 0 : index
    %get3A_2 = arith.constant 0 : index
    %get3A_3 = vector.load %arg4[%get3A, %get3A_0, %get3A_1, %get3A_2] : memref<1x1x1024x2048xf32, #tpu.memory_space<vmem>>, vector<1x1x1024x2048xf32>
    %swap3A = arith.constant 0 : index
    %swap3A_4 = arith.constant 0 : index
    %swap3A_5 = arith.constant 0 : index
    %swap3A_6 = arith.constant 0 : index
    %swap3A_7 = vector.load %arg7[%swap3A, %swap3A_4, %swap3A_5, %swap3A_6] : memref<1x1x1024x2048xf32, #tpu.memory_space<vmem>>, vector<1x1x1024x2048xf32>
    tpu.vector_store %arg7[%swap3A, %swap3A_4, %swap3A_5, %swap3A_6], %get3A_3 {strides = array<i32>} : memref<1x1x1024x2048xf32, #tpu.memory_space<vmem>>, vector<1x1x1024x2048xf32>,
    %mul3A = arith.constant 1024 : i32
    %mul3A_8 = arith.muli %arg1, %mul3A : i32
    %get3A_9 = arith.constant 0 : index
    %get3A_10 = arith.constant 0 : index
    %get3A_11 = arith.constant 0 : index
    %get3A_12 = vector.load %arg6[%get3A_9, %get3A_10, %get3A_11] : memref<1x1x64xf32, #tpu.memory_space<vmem>>, vector<1x1x64xf32>
    %get3A_13 = vector.shape_cast %get3A_12 : vector<1x1x64xf32> to vector<1x64xf32>
    %exp3A = math.exp %get3A_13 : vector<1x64xf32>
    %iota3A = tpu.iota {dimensions = array<i32: 1>} : vector<1x2048xi32>
    %get3A_14 = arith.constant 0 : index
    %get3A_15 = memref.load %arg2[%get3A_14] : memref<50xi32, #tpu.memory_space<smem>>
    %get3A_16 = arith.constant 0 : index
    %get3A_17 = memref.load %arg3[%get3A_16] : memref<50xi32, #tpu.memory_space<smem>>
    %ge3A = arith.cmpi sge, %get3A_15, %mul3A_8 : i32
    %add3A = arith.constant 1024 : i32
    %add3A_18 = arith.addi %mul3A_8, %add3A : i32
    %lt3A = arith.cmpi slt, %get3A_15, %add3A_18 : i32
    %and3A = arith.andi %ge3A, %lt3A : i1
    %convert_element_type3A = arith.extui %and3A : i1 to i32
    %cond3A = arith.constant 0 : i32
    %cond3A_19 = arith.cmpi ne, %convert_element_type3A, %cond3A : i32
    scf.if %cond3A_19 {
      %sub3A = arith.subi %get3A_15, %mul3A_8 : i32
      %get3A_608 = arith.constant 0 : index
      %get3A_609 = arith.constant 0 : index
      %get3A_610 = arith.index_cast %sub3A : i32 to index
      %get3A_611 = arith.constant 0 : index
      %get3A_612 = vector.load %arg7[%get3A_608, %get3A_609, %get3A_610, %get3A_611] : memref<1x1x1024x2048xf32, #tpu.memory_space<vmem>>, vector<1x1x1x2048xf32>
      %get3A_613 = vector.shape_cast %get3A_612 : vector<1x1x1x2048xf32> to vector<1x2048xf32>
      %get3A_614 = arith.constant 0 : index
      %get3A_615 = arith.constant 0 : index
      %get3A_616 = vector.load %arg5[%get3A_614, %get3A_615] : memref<64x2048xf32, #tpu.memory_space<vmem>>, vector<1x2048xf32>
      %slice3A = vector.extract_strided_slice %exp3A {offsets = [0, 0], sizes = [1, 1], strides = [1, 1]} : vector<1x64xf32> to vector<1x1xf32>
      %mul3A_617 = vector.broadcast %slice3A : vector<1x1xf32> to vector<1x2048xf32>
      %mul3A_618 = arith.mulf %get3A_616, %mul3A_617 : vector<1x2048xf32>
      %eq3A = vector.broadcast %get3A_17 : i32 to vector<1x2048xi32>
      %eq3A_619 = arith.cmpi eq, %iota3A, %eq3A : vector<1x2048xi32>
      %select_n3A = arith.select %eq3A_619, %mul3A_618, %get3A_613 : vector<1x2048xi1>, vector<1x2048xf32>
      %swap3A_620 = arith.constant 0 : index
      %swap3A_621 = arith.constant 0 : index
      %swap3A_622 = arith.index_cast %sub3A : i32 to index
      %swap3A_623 = arith.constant 0 : index
      %swap3A_624 = vector.load %arg7[%swap3A_620, %swap3A_621, %swap3A_622, %swap3A_623] : memref<1x1x1024x2048xf32, #tpu.memory_space<vmem>>, vector<1x1x1x2048xf32>
      %swap3A_625 = vector.shape_cast %swap3A_624 : vector<1x1x1x2048xf32> to vector<1x2048xf32>
      %swap3A_626 = vector.shape_cast %select_n3A : vector<1x2048xf32> to vector<1x1x1x2048xf32>
      tpu.vector_store %arg7[%swap3A_620, %swap3A_621, %swap3A_622, %swap3A_623], %swap3A_626 {strides = array<i32>} : memref<1x1x1024x2048xf32, #tpu.memory_space<vmem>>, vector<1x1x1x2048xf32>,
    } else {
    }
    %get3A_20 = arith.constant 1 : index
    %get3A_21 = memref.load %arg2[%get3A_20] : memref<50xi32, #tpu.memory_space<smem>>
    %get3A_22 = arith.constant 1 : index
    %get3A_23 = memref.load %arg3[%get3A_22] : memref<50xi32, #tpu.memory_space<smem>>
    %ge3A_24 = arith.cmpi sge, %get3A_21, %mul3A_8 : i32
    %add3A_25 = arith.constant 1024 : i32
    %add3A_26 = arith.addi %mul3A_8, %add3A_25 : i32
    %lt3A_27 = arith.cmpi slt, %get3A_21, %add3A_26 : i32
    %and3A_28 = arith.andi %ge3A_24, %lt3A_27 : i1
    %convert_element_type3A_29 = arith.extui %and3A_28 : i1 to i32
    %cond3A_30 = arith.constant 0 : i32
    %cond3A_31 = arith.cmpi ne, %convert_element_type3A_29, %cond3A_30 : i32
    scf.if %cond3A_31 {
      %sub3A = arith.subi %get3A_21, %mul3A_8 : i32
      %get3A_608 = arith.constant 0 : index
      %get3A_609 = arith.constant 0 : index
      %get3A_610 = arith.index_cast %sub3A : i32 to index
      %get3A_611 = arith.constant 0 : index
      %get3A_612 = vector.load %arg7[%get3A_608, %get3A_609, %get3A_610, %get3A_611] : memref<1x1x1024x2048xf32, #tpu.memory_space<vmem>>, vector<1x1x1x2048xf32>
      %get3A_613 = vector.shape_cast %get3A_612 : vector<1x1x1x2048xf32> to vector<1x2048xf32>
      %get3A_614 = arith.constant 1 : index
      %get3A_615 = arith.constant 0 : index
      %get3A_616 = vector.load %arg5[%get3A_614, %get3A_615] : memref<64x2048xf32, #tpu.memory_space<vmem>>, vector<1x2048xf32>
      %slice3A = vector.extract_strided_slice %exp3A {offsets = [0, 1], sizes = [1, 1], strides = [1, 1]} : vector<1x64xf32> to vector<1x1xf32>
      %mul3A_617 = vector.broadcast %slice3A : vector<1x1xf32> to vector<1x2048xf32>
      %mul3A_618 = arith.mulf %get3A_616, %mul3A_617 : vector<1x2048xf32>
      %eq3A = vector.broadcast %get3A_23 : i32 to vector<1x2048xi32>
      %eq3A_619 = arith.cmpi eq, %iota3A, %eq3A : vector<1x2048xi32>
      %select_n3A = arith.select %eq3A_619, %mul3A_618, %get3A_613 : vector<1x2048xi1>, vector<1x2048xf32>
      %swap3A_620 = arith.constant 0 : index
      %swap3A_621 = arith.constant 0 : index
      %swap3A_622 = arith.index_cast %sub3A : i32 to index
      %swap3A_623 = arith.constant 0 : index
      %swap3A_624 = vector.load %arg7[%swap3A_620, %swap3A_621, %swap3A_622, %swap3A_623] : memref<1x1x1024x2048xf32, #tpu.memory_space<vmem>>, vector<1x1x1x2048xf32>
      %swap3A_625 = vector.shape_cast %swap3A_624 : vector<1x1x1x2048xf32> to vector<1x2048xf32>
      %swap3A_626 = vector.shape_cast %select_n3A : vector<1x2048xf32> to vector<1x1x1x2048xf32>
      tpu.vector_store %arg7[%swap3A_620, %swap3A_621, %swap3A_622, %swap3A_623], %swap3A_626 {strides = array<i32>} : memref<1x1x1024x2048xf32, #tpu.memory_space<vmem>>, vector<1x1x1x2048xf32>,
    } else {
    }
    %get3A_32 = arith.constant 2 : index
    %get3A_33 = memref.load %arg2[%get3A_32] : memref<50xi32, #tpu.memory_space<smem>>
    %get3A_34 = arith.constant 2 : index
    %get3A_35 = memref.load %arg3[%get3A_34] : memref<50xi32, #tpu.memory_space<smem>>
    %ge3A_36 = arith.cmpi sge, %get3A_33, %mul3A_8 : i32
    %add3A_37 = arith.constant 1024 : i32
    %add3A_38 = arith.addi %mul3A_8, %add3A_37 : i32
    %lt3A_39 = arith.cmpi slt, %get3A_33, %add3A_38 : i32
    %and3A_40 = arith.andi %ge3A_36, %lt3A_39 : i1
    %convert_element_type3A_41 = arith.extui %and3A_40 : i1 to i32
    %cond3A_42 = arith.constant 0 : i32
    %cond3A_43 = arith.cmpi ne, %convert_element_type3A_41, %cond3A_42 : i32
    scf.if %cond3A_43 {
      %sub3A = arith.subi %get3A_33, %mul3A_8 : i32
      %get3A_608 = arith.constant 0 : index
      %get3A_609 = arith.constant 0 : index
      %get3A_610 = arith.index_cast %sub3A : i32 to index
      %get3A_611 = arith.constant 0 : index
      %get3A_612 = vector.load %arg7[%get3A_608, %get3A_609, %get3A_610, %get3A_611] : memref<1x1x1024x2048xf32, #tpu.memory_space<vmem>>, vector<1x1x1x2048xf32>
      %get3A_613 = vector.shape_cast %get3A_612 : vector<1x1x1x2048xf32> to vector<1x2048xf32>
      %get3A_614 = arith.constant 2 : index
      %get3A_615 = arith.constant 0 : index
      %get3A_616 = vector.load %arg5[%get3A_614, %get3A_615] : memref<64x2048xf32, #tpu.memory_space<vmem>>, vector<1x2048xf32>
      %slice3A = vector.extract_strided_slice %exp3A {offsets = [0, 2], sizes = [1, 1], strides = [1, 1]} : vector<1x64xf32> to vector<1x1xf32>
      %mul3A_617 = vector.broadcast %slice3A : vector<1x1xf32> to vector<1x2048xf32>
      %mul3A_618 = arith.mulf %get3A_616, %mul3A_617 : vector<1x2048xf32>
      %eq3A = vector.broadcast %get3A_35 : i32 to vector<1x2048xi32>
      %eq3A_619 = arith.cmpi eq, %iota3A, %eq3A : vector<1x2048xi32>
      %select_n3A = arith.select %eq3A_619, %mul3A_618, %get3A_613 : vector<1x2048xi1>, vector<1x2048xf32>
      %swap3A_620 = arith.constant 0 : index
      %swap3A_621 = arith.constant 0 : index
      %swap3A_622 = arith.index_cast %sub3A : i32 to index
      %swap3A_623 = arith.constant 0 : index
      %swap3A_624 = vector.load %arg7[%swap3A_620, %swap3A_621, %swap3A_622, %swap3A_623] : memref<1x1x1024x2048xf32, #tpu.memory_space<vmem>>, vector<1x1x1x2048xf32>
      %swap3A_625 = vector.shape_cast %swap3A_624 : vector<1x1x1x2048xf32> to vector<1x2048xf32>
      %swap3A_626 = vector.shape_cast %select_n3A : vector<1x2048xf32> to vector<1x1x1x2048xf32>
      tpu.vector_store %arg7[%swap3A_620, %swap3A_621, %swap3A_622, %swap3A_623], %swap3A_626 {strides = array<i32>} : memref<1x1x1024x2048xf32, #tpu.memory_space<vmem>>, vector<1x1x1x2048xf32>,
    } else {
    }
    %get3A_44 = arith.constant 3 : index
    %get3A_45 = memref.load %arg2[%get3A_44] : memref<50xi32, #tpu.memory_space<smem>>
    %get3A_46 = arith.constant 3 : index
    %get3A_47 = memref.load %arg3[%get3A_46] : memref<50xi32, #tpu.memory_space<smem>>
    %ge3A_48 = arith.cmpi sge, %get3A_45, %mul3A_8 : i32
    %add3A_49 = arith.constant 1024 : i32
    %add3A_50 = arith.addi %mul3A_8, %add3A_49 : i32
    %lt3A_51 = arith.cmpi slt, %get3A_45, %add3A_50 : i32
    %and3A_52 = arith.andi %ge3A_48, %lt3A_51 : i1
    %convert_element_type3A_53 = arith.extui %and3A_52 : i1 to i32
    %cond3A_54 = arith.constant 0 : i32
    %cond3A_55 = arith.cmpi ne, %convert_element_type3A_53, %cond3A_54 : i32
    scf.if %cond3A_55 {
      %sub3A = arith.subi %get3A_45, %mul3A_8 : i32
      %get3A_608 = arith.constant 0 : index
      %get3A_609 = arith.constant 0 : index
      %get3A_610 = arith.index_cast %sub3A : i32 to index
      %get3A_611 = arith.constant 0 : index
      %get3A_612 = vector.load %arg7[%get3A_608, %get3A_609, %get3A_610, %get3A_611] : memref<1x1x1024x2048xf32, #tpu.memory_space<vmem>>, vector<1x1x1x2048xf32>
      %get3A_613 = vector.shape_cast %get3A_612 : vector<1x1x1x2048xf32> to vector<1x2048xf32>
      %get3A_614 = arith.constant 3 : index
      %get3A_615 = arith.constant 0 : index
      %get3A_616 = vector.load %arg5[%get3A_614, %get3A_615] : memref<64x2048xf32, #tpu.memory_space<vmem>>, vector<1x2048xf32>
      %slice3A = vector.extract_strided_slice %exp3A {offsets = [0, 3], sizes = [1, 1], strides = [1, 1]} : vector<1x64xf32> to vector<1x1xf32>
      %mul3A_617 = vector.broadcast %slice3A : vector<1x1xf32> to vector<1x2048xf32>
      %mul3A_618 = arith.mulf %get3A_616, %mul3A_617 : vector<1x2048xf32>
      %eq3A = vector.broadcast %get3A_47 : i32 to vector<1x2048xi32>
      %eq3A_619 = arith.cmpi eq, %iota3A, %eq3A : vector<1x2048xi32>
      %select_n3A = arith.select %eq3A_619, %mul3A_618, %get3A_613 : vector<1x2048xi1>, vector<1x2048xf32>
      %swap3A_620 = arith.constant 0 : index
      %swap3A_621 = arith.constant 0 : index
      %swap3A_622 = arith.index_cast %sub3A : i32 to index
      %swap3A_623 = arith.constant 0 : index
      %swap3A_624 = vector.load %arg7[%swap3A_620, %swap3A_621, %swap3A_622, %swap3A_623] : memref<1x1x1024x2048xf32, #tpu.memory_space<vmem>>, vector<1x1x1x2048xf32>
      %swap3A_625 = vector.shape_cast %swap3A_624 : vector<1x1x1x2048xf32> to vector<1x2048xf32>
      %swap3A_626 = vector.shape_cast %select_n3A : vector<1x2048xf32> to vector<1x1x1x2048xf32>
      tpu.vector_store %arg7[%swap3A_620, %swap3A_621, %swap3A_622, %swap3A_623], %swap3A_626 {strides = array<i32>} : memref<1x1x1024x2048xf32, #tpu.memory_space<vmem>>, vector<1x1x1x2048xf32>,
    } else {
    }
    %get3A_56 = arith.constant 4 : index
    %get3A_57 = memref.load %arg2[%get3A_56] : memref<50xi32, #tpu.memory_space<smem>>
    %get3A_58 = arith.constant 4 : index
    %get3A_59 = memref.load %arg3[%get3A_58] : memref<50xi32, #tpu.memory_space<smem>>
    %ge3A_60 = arith.cmpi sge, %get3A_57, %mul3A_8 : i32
    %add3A_61 = arith.constant 1024 : i32
    %add3A_62 = arith.addi %mul3A_8, %add3A_61 : i32
    %lt3A_63 = arith.cmpi slt, %get3A_57, %add3A_62 : i32
    %and3A_64 = arith.andi %ge3A_60, %lt3A_63 : i1
    %convert_element_type3A_65 = arith.extui %and3A_64 : i1 to i32
    %cond3A_66 = arith.constant 0 : i32
    %cond3A_67 = arith.cmpi ne, %convert_element_type3A_65, %cond3A_66 : i32
    scf.if %cond3A_67 {
      %sub3A = arith.subi %get3A_57, %mul3A_8 : i32
      %get3A_608 = arith.constant 0 : index
      %get3A_609 = arith.constant 0 : index
      %get3A_610 = arith.index_cast %sub3A : i32 to index
      %get3A_611 = arith.constant 0 : index
      %get3A_612 = vector.load %arg7[%get3A_608, %get3A_609, %get3A_610, %get3A_611] : memref<1x1x1024x2048xf32, #tpu.memory_space<vmem>>, vector<1x1x1x2048xf32>
      %get3A_613 = vector.shape_cast %get3A_612 : vector<1x1x1x2048xf32> to vector<1x2048xf32>
      %get3A_614 = arith.constant 4 : index
      %get3A_615 = arith.constant 0 : index
      %get3A_616 = vector.load %arg5[%get3A_614, %get3A_615] : memref<64x2048xf32, #tpu.memory_space<vmem>>, vector<1x2048xf32>
      %slice3A = vector.extract_strided_slice %exp3A {offsets = [0, 4], sizes = [1, 1], strides = [1, 1]} : vector<1x64xf32> to vector<1x1xf32>
      %mul3A_617 = vector.broadcast %slice3A : vector<1x1xf32> to vector<1x2048xf32>
      %mul3A_618 = arith.mulf %get3A_616, %mul3A_617 : vector<1x2048xf32>
      %eq3A = vector.broadcast %get3A_59 : i32 to vector<1x2048xi32>
      %eq3A_619 = arith.cmpi eq, %iota3A, %eq3A : vector<1x2048xi32>
      %select_n3A = arith.select %eq3A_619, %mul3A_618, %get3A_613 : vector<1x2048xi1>, vector<1x2048xf32>
      %swap3A_620 = arith.constant 0 : index
      %swap3A_621 = arith.constant 0 : index
      %swap3A_622 = arith.index_cast %sub3A : i32 to index
      %swap3A_623 = arith.constant 0 : index
      %swap3A_624 = vector.load %arg7[%swap3A_620, %swap3A_621, %swap3A_622, %swap3A_623] : memref<1x1x1024x2048xf32, #tpu.memory_space<vmem>>, vector<1x1x1x2048xf32>
      %swap3A_625 = vector.shape_cast %swap3A_624 : vector<1x1x1x2048xf32> to vector<1x2048xf32>
      %swap3A_626 = vector.shape_cast %select_n3A : vector<1x2048xf32> to vector<1x1x1x2048xf32>
      tpu.vector_store %arg7[%swap3A_620, %swap3A_621, %swap3A_622, %swap3A_623], %swap3A_626 {strides = array<i32>} : memref<1x1x1024x2048xf32, #tpu.memory_space<vmem>>, vector<1x1x1x2048xf32>,
    } else {
    }
    %get3A_68 = arith.constant 5 : index
    %get3A_69 = memref.load %arg2[%get3A_68] : memref<50xi32, #tpu.memory_space<smem>>
    %get3A_70 = arith.constant 5 : index
    %get3A_71 = memref.load %arg3[%get3A_70] : memref<50xi32, #tpu.memory_space<smem>>
    %ge3A_72 = arith.cmpi sge, %get3A_69, %mul3A_8 : i32
    %add3A_73 = arith.constant 1024 : i32
    %add3A_74 = arith.addi %mul3A_8, %add3A_73 : i32
    %lt3A_75 = arith.cmpi slt, %get3A_69, %add3A_74 : i32
    %and3A_76 = arith.andi %ge3A_72, %lt3A_75 : i1
    %convert_element_type3A_77 = arith.extui %and3A_76 : i1 to i32
    %cond3A_78 = arith.constant 0 : i32
    %cond3A_79 = arith.cmpi ne, %convert_element_type3A_77, %cond3A_78 : i32
    scf.if %cond3A_79 {
      %sub3A = arith.subi %get3A_69, %mul3A_8 : i32
      %get3A_608 = arith.constant 0 : index
      %get3A_609 = arith.constant 0 : index
      %get3A_610 = arith.index_cast %sub3A : i32 to index
      %get3A_611 = arith.constant 0 : index
      %get3A_612 = vector.load %arg7[%get3A_608, %get3A_609, %get3A_610, %get3A_611] : memref<1x1x1024x2048xf32, #tpu.memory_space<vmem>>, vector<1x1x1x2048xf32>
      %get3A_613 = vector.shape_cast %get3A_612 : vector<1x1x1x2048xf32> to vector<1x2048xf32>
      %get3A_614 = arith.constant 5 : index
      %get3A_615 = arith.constant 0 : index
      %get3A_616 = vector.load %arg5[%get3A_614, %get3A_615] : memref<64x2048xf32, #tpu.memory_space<vmem>>, vector<1x2048xf32>
      %slice3A = vector.extract_strided_slice %exp3A {offsets = [0, 5], sizes = [1, 1], strides = [1, 1]} : vector<1x64xf32> to vector<1x1xf32>
      %mul3A_617 = vector.broadcast %slice3A : vector<1x1xf32> to vector<1x2048xf32>
      %mul3A_618 = arith.mulf %get3A_616, %mul3A_617 : vector<1x2048xf32>
      %eq3A = vector.broadcast %get3A_71 : i32 to vector<1x2048xi32>
      %eq3A_619 = arith.cmpi eq, %iota3A, %eq3A : vector<1x2048xi32>
      %select_n3A = arith.select %eq3A_619, %mul3A_618, %get3A_613 : vector<1x2048xi1>, vector<1x2048xf32>
      %swap3A_620 = arith.constant 0 : index
      %swap3A_621 = arith.constant 0 : index
      %swap3A_622 = arith.index_cast %sub3A : i32 to index
      %swap3A_623 = arith.constant 0 : index
      %swap3A_624 = vector.load %arg7[%swap3A_620, %swap3A_621, %swap3A_622, %swap3A_623] : memref<1x1x1024x2048xf32, #tpu.memory_space<vmem>>, vector<1x1x1x2048xf32>
      %swap3A_625 = vector.shape_cast %swap3A_624 : vector<1x1x1x2048xf32> to vector<1x2048xf32>
      %swap3A_626 = vector.shape_cast %select_n3A : vector<1x2048xf32> to vector<1x1x1x2048xf32>
      tpu.vector_store %arg7[%swap3A_620, %swap3A_621, %swap3A_622, %swap3A_623], %swap3A_626 {strides = array<i32>} : memref<1x1x1024x2048xf32, #tpu.memory_space<vmem>>, vector<1x1x1x2048xf32>,
    } else {
    }
    %get3A_80 = arith.constant 6 : index
    %get3A_81 = memref.load %arg2[%get3A_80] : memref<50xi32, #tpu.memory_space<smem>>
    %get3A_82 = arith.constant 6 : index
    %get3A_83 = memref.load %arg3[%get3A_82] : memref<50xi32, #tpu.memory_space<smem>>
    %ge3A_84 = arith.cmpi sge, %get3A_81, %mul3A_8 : i32
    %add3A_85 = arith.constant 1024 : i32
    %add3A_86 = arith.addi %mul3A_8, %add3A_85 : i32
    %lt3A_87 = arith.cmpi slt, %get3A_81, %add3A_86 : i32
    %and3A_88 = arith.andi %ge3A_84, %lt3A_87 : i1
    %convert_element_type3A_89 = arith.extui %and3A_88 : i1 to i32
    %cond3A_90 = arith.constant 0 : i32
    %cond3A_91 = arith.cmpi ne, %convert_element_type3A_89, %cond3A_90 : i32
    scf.if %cond3A_91 {
      %sub3A = arith.subi %get3A_81, %mul3A_8 : i32
      %get3A_608 = arith.constant 0 : index
      %get3A_609 = arith.constant 0 : index
      %get3A_610 = arith.index_cast %sub3A : i32 to index
      %get3A_611 = arith.constant 0 : index
      %get3A_612 = vector.load %arg7[%get3A_608, %get3A_609, %get3A_610, %get3A_611] : memref<1x1x1024x2048xf32, #tpu.memory_space<vmem>>, vector<1x1x1x2048xf32>
      %get3A_613 = vector.shape_cast %get3A_612 : vector<1x1x1x2048xf32> to vector<1x2048xf32>
      %get3A_614 = arith.constant 6 : index
      %get3A_615 = arith.constant 0 : index
      %get3A_616 = vector.load %arg5[%get3A_614, %get3A_615] : memref<64x2048xf32, #tpu.memory_space<vmem>>, vector<1x2048xf32>
      %slice3A = vector.extract_strided_slice %exp3A {offsets = [0, 6], sizes = [1, 1], strides = [1, 1]} : vector<1x64xf32> to vector<1x1xf32>
      %mul3A_617 = vector.broadcast %slice3A : vector<1x1xf32> to vector<1x2048xf32>
      %mul3A_618 = arith.mulf %get3A_616, %mul3A_617 : vector<1x2048xf32>
      %eq3A = vector.broadcast %get3A_83 : i32 to vector<1x2048xi32>
      %eq3A_619 = arith.cmpi eq, %iota3A, %eq3A : vector<1x2048xi32>
      %select_n3A = arith.select %eq3A_619, %mul3A_618, %get3A_613 : vector<1x2048xi1>, vector<1x2048xf32>
      %swap3A_620 = arith.constant 0 : index
      %swap3A_621 = arith.constant 0 : index
      %swap3A_622 = arith.index_cast %sub3A : i32 to index
      %swap3A_623 = arith.constant 0 : index
      %swap3A_624 = vector.load %arg7[%swap3A_620, %swap3A_621, %swap3A_622, %swap3A_623] : memref<1x1x1024x2048xf32, #tpu.memory_space<vmem>>, vector<1x1x1x2048xf32>
      %swap3A_625 = vector.shape_cast %swap3A_624 : vector<1x1x1x2048xf32> to vector<1x2048xf32>
      %swap3A_626 = vector.shape_cast %select_n3A : vector<1x2048xf32> to vector<1x1x1x2048xf32>
      tpu.vector_store %arg7[%swap3A_620, %swap3A_621, %swap3A_622, %swap3A_623], %swap3A_626 {strides = array<i32>} : memref<1x1x1024x2048xf32, #tpu.memory_space<vmem>>, vector<1x1x1x2048xf32>,
    } else {
    }
    %get3A_92 = arith.constant 7 : index
    %get3A_93 = memref.load %arg2[%get3A_92] : memref<50xi32, #tpu.memory_space<smem>>
    %get3A_94 = arith.constant 7 : index
    %get3A_95 = memref.load %arg3[%get3A_94] : memref<50xi32, #tpu.memory_space<smem>>
    %ge3A_96 = arith.cmpi sge, %get3A_93, %mul3A_8 : i32
    %add3A_97 = arith.constant 1024 : i32
    %add3A_98 = arith.addi %mul3A_8, %add3A_97 : i32
    %lt3A_99 = arith.cmpi slt, %get3A_93, %add3A_98 : i32
    %and3A_100 = arith.andi %ge3A_96, %lt3A_99 : i1
    %convert_element_type3A_101 = arith.extui %and3A_100 : i1 to i32
    %cond3A_102 = arith.constant 0 : i32
    %cond3A_103 = arith.cmpi ne, %convert_element_type3A_101, %cond3A_102 : i32
    scf.if %cond3A_103 {
      %sub3A = arith.subi %get3A_93, %mul3A_8 : i32
      %get3A_608 = arith.constant 0 : index
      %get3A_609 = arith.constant 0 : index
      %get3A_610 = arith.index_cast %sub3A : i32 to index
      %get3A_611 = arith.constant 0 : index
      %get3A_612 = vector.load %arg7[%get3A_608, %get3A_609, %get3A_610, %get3A_611] : memref<1x1x1024x2048xf32, #tpu.memory_space<vmem>>, vector<1x1x1x2048xf32>
      %get3A_613 = vector.shape_cast %get3A_612 : vector<1x1x1x2048xf32> to vector<1x2048xf32>
      %get3A_614 = arith.constant 7 : index
      %get3A_615 = arith.constant 0 : index
      %get3A_616 = vector.load %arg5[%get3A_614, %get3A_615] : memref<64x2048xf32, #tpu.memory_space<vmem>>, vector<1x2048xf32>
      %slice3A = vector.extract_strided_slice %exp3A {offsets = [0, 7], sizes = [1, 1], strides = [1, 1]} : vector<1x64xf32> to vector<1x1xf32>
      %mul3A_617 = vector.broadcast %slice3A : vector<1x1xf32> to vector<1x2048xf32>
      %mul3A_618 = arith.mulf %get3A_616, %mul3A_617 : vector<1x2048xf32>
      %eq3A = vector.broadcast %get3A_95 : i32 to vector<1x2048xi32>
      %eq3A_619 = arith.cmpi eq, %iota3A, %eq3A : vector<1x2048xi32>
      %select_n3A = arith.select %eq3A_619, %mul3A_618, %get3A_613 : vector<1x2048xi1>, vector<1x2048xf32>
      %swap3A_620 = arith.constant 0 : index
      %swap3A_621 = arith.constant 0 : index
      %swap3A_622 = arith.index_cast %sub3A : i32 to index
      %swap3A_623 = arith.constant 0 : index
      %swap3A_624 = vector.load %arg7[%swap3A_620, %swap3A_621, %swap3A_622, %swap3A_623] : memref<1x1x1024x2048xf32, #tpu.memory_space<vmem>>, vector<1x1x1x2048xf32>
      %swap3A_625 = vector.shape_cast %swap3A_624 : vector<1x1x1x2048xf32> to vector<1x2048xf32>
      %swap3A_626 = vector.shape_cast %select_n3A : vector<1x2048xf32> to vector<1x1x1x2048xf32>
      tpu.vector_store %arg7[%swap3A_620, %swap3A_621, %swap3A_622, %swap3A_623], %swap3A_626 {strides = array<i32>} : memref<1x1x1024x2048xf32, #tpu.memory_space<vmem>>, vector<1x1x1x2048xf32>,
    } else {
    }
    %get3A_104 = arith.constant 8 : index
    %get3A_105 = memref.load %arg2[%get3A_104] : memref<50xi32, #tpu.memory_space<smem>>
    %get3A_106 = arith.constant 8 : index
    %get3A_107 = memref.load %arg3[%get3A_106] : memref<50xi32, #tpu.memory_space<smem>>
    %ge3A_108 = arith.cmpi sge, %get3A_105, %mul3A_8 : i32
    %add3A_109 = arith.constant 1024 : i32
    %add3A_110 = arith.addi %mul3A_8, %add3A_109 : i32
    %lt3A_111 = arith.cmpi slt, %get3A_105, %add3A_110 : i32
    %and3A_112 = arith.andi %ge3A_108, %lt3A_111 : i1
    %convert_element_type3A_113 = arith.extui %and3A_112 : i1 to i32
    %cond3A_114 = arith.constant 0 : i32
    %cond3A_115 = arith.cmpi ne, %convert_element_type3A_113, %cond3A_114 : i32
    scf.if %cond3A_115 {
      %sub3A = arith.subi %get3A_105, %mul3A_8 : i32
      %get3A_608 = arith.constant 0 : index
      %get3A_609 = arith.constant 0 : index
      %get3A_610 = arith.index_cast %sub3A : i32 to index
      %get3A_611 = arith.constant 0 : index
      %get3A_612 = vector.load %arg7[%get3A_608, %get3A_609, %get3A_610, %get3A_611] : memref<1x1x1024x2048xf32, #tpu.memory_space<vmem>>, vector<1x1x1x2048xf32>
      %get3A_613 = vector.shape_cast %get3A_612 : vector<1x1x1x2048xf32> to vector<1x2048xf32>
      %get3A_614 = arith.constant 8 : index
      %get3A_615 = arith.constant 0 : index
      %get3A_616 = vector.load %arg5[%get3A_614, %get3A_615] : memref<64x2048xf32, #tpu.memory_space<vmem>>, vector<1x2048xf32>
      %slice3A = vector.extract_strided_slice %exp3A {offsets = [0, 8], sizes = [1, 1], strides = [1, 1]} : vector<1x64xf32> to vector<1x1xf32>
      %mul3A_617 = vector.broadcast %slice3A : vector<1x1xf32> to vector<1x2048xf32>
      %mul3A_618 = arith.mulf %get3A_616, %mul3A_617 : vector<1x2048xf32>
      %eq3A = vector.broadcast %get3A_107 : i32 to vector<1x2048xi32>
      %eq3A_619 = arith.cmpi eq, %iota3A, %eq3A : vector<1x2048xi32>
      %select_n3A = arith.select %eq3A_619, %mul3A_618, %get3A_613 : vector<1x2048xi1>, vector<1x2048xf32>
      %swap3A_620 = arith.constant 0 : index
      %swap3A_621 = arith.constant 0 : index
      %swap3A_622 = arith.index_cast %sub3A : i32 to index
      %swap3A_623 = arith.constant 0 : index
      %swap3A_624 = vector.load %arg7[%swap3A_620, %swap3A_621, %swap3A_622, %swap3A_623] : memref<1x1x1024x2048xf32, #tpu.memory_space<vmem>>, vector<1x1x1x2048xf32>
      %swap3A_625 = vector.shape_cast %swap3A_624 : vector<1x1x1x2048xf32> to vector<1x2048xf32>
      %swap3A_626 = vector.shape_cast %select_n3A : vector<1x2048xf32> to vector<1x1x1x2048xf32>
      tpu.vector_store %arg7[%swap3A_620, %swap3A_621, %swap3A_622, %swap3A_623], %swap3A_626 {strides = array<i32>} : memref<1x1x1024x2048xf32, #tpu.memory_space<vmem>>, vector<1x1x1x2048xf32>,
    } else {
    }
    %get3A_116 = arith.constant 9 : index
    %get3A_117 = memref.load %arg2[%get3A_116] : memref<50xi32, #tpu.memory_space<smem>>
    %get3A_118 = arith.constant 9 : index
    %get3A_119 = memref.load %arg3[%get3A_118] : memref<50xi32, #tpu.memory_space<smem>>
    %ge3A_120 = arith.cmpi sge, %get3A_117, %mul3A_8 : i32
    %add3A_121 = arith.constant 1024 : i32
    %add3A_122 = arith.addi %mul3A_8, %add3A_121 : i32
    %lt3A_123 = arith.cmpi slt, %get3A_117, %add3A_122 : i32
    %and3A_124 = arith.andi %ge3A_120, %lt3A_123 : i1
    %convert_element_type3A_125 = arith.extui %and3A_124 : i1 to i32
    %cond3A_126 = arith.constant 0 : i32
    %cond3A_127 = arith.cmpi ne, %convert_element_type3A_125, %cond3A_126 : i32
    scf.if %cond3A_127 {
      %sub3A = arith.subi %get3A_117, %mul3A_8 : i32
      %get3A_608 = arith.constant 0 : index
      %get3A_609 = arith.constant 0 : index
      %get3A_610 = arith.index_cast %sub3A : i32 to index
      %get3A_611 = arith.constant 0 : index
      %get3A_612 = vector.load %arg7[%get3A_608, %get3A_609, %get3A_610, %get3A_611] : memref<1x1x1024x2048xf32, #tpu.memory_space<vmem>>, vector<1x1x1x2048xf32>
      %get3A_613 = vector.shape_cast %get3A_612 : vector<1x1x1x2048xf32> to vector<1x2048xf32>
      %get3A_614 = arith.constant 9 : index
      %get3A_615 = arith.constant 0 : index
      %get3A_616 = vector.load %arg5[%get3A_614, %get3A_615] : memref<64x2048xf32, #tpu.memory_space<vmem>>, vector<1x2048xf32>
      %slice3A = vector.extract_strided_slice %exp3A {offsets = [0, 9], sizes = [1, 1], strides = [1, 1]} : vector<1x64xf32> to vector<1x1xf32>
      %mul3A_617 = vector.broadcast %slice3A : vector<1x1xf32> to vector<1x2048xf32>
      %mul3A_618 = arith.mulf %get3A_616, %mul3A_617 : vector<1x2048xf32>
      %eq3A = vector.broadcast %get3A_119 : i32 to vector<1x2048xi32>
      %eq3A_619 = arith.cmpi eq, %iota3A, %eq3A : vector<1x2048xi32>
      %select_n3A = arith.select %eq3A_619, %mul3A_618, %get3A_613 : vector<1x2048xi1>, vector<1x2048xf32>
      %swap3A_620 = arith.constant 0 : index
      %swap3A_621 = arith.constant 0 : index
      %swap3A_622 = arith.index_cast %sub3A : i32 to index
      %swap3A_623 = arith.constant 0 : index
      %swap3A_624 = vector.load %arg7[%swap3A_620, %swap3A_621, %swap3A_622, %swap3A_623] : memref<1x1x1024x2048xf32, #tpu.memory_space<vmem>>, vector<1x1x1x2048xf32>
      %swap3A_625 = vector.shape_cast %swap3A_624 : vector<1x1x1x2048xf32> to vector<1x2048xf32>
      %swap3A_626 = vector.shape_cast %select_n3A : vector<1x2048xf32> to vector<1x1x1x2048xf32>
      tpu.vector_store %arg7[%swap3A_620, %swap3A_621, %swap3A_622, %swap3A_623], %swap3A_626 {strides = array<i32>} : memref<1x1x1024x2048xf32, #tpu.memory_space<vmem>>, vector<1x1x1x2048xf32>,
    } else {
    }
    %get3A_128 = arith.constant 10 : index
    %get3A_129 = memref.load %arg2[%get3A_128] : memref<50xi32, #tpu.memory_space<smem>>
    %get3A_130 = arith.constant 10 : index
    %get3A_131 = memref.load %arg3[%get3A_130] : memref<50xi32, #tpu.memory_space<smem>>
    %ge3A_132 = arith.cmpi sge, %get3A_129, %mul3A_8 : i32
    %add3A_133 = arith.constant 1024 : i32
    %add3A_134 = arith.addi %mul3A_8, %add3A_133 : i32
    %lt3A_135 = arith.cmpi slt, %get3A_129, %add3A_134 : i32
    %and3A_136 = arith.andi %ge3A_132, %lt3A_135 : i1
    %convert_element_type3A_137 = arith.extui %and3A_136 : i1 to i32
    %cond3A_138 = arith.constant 0 : i32
    %cond3A_139 = arith.cmpi ne, %convert_element_type3A_137, %cond3A_138 : i32
    scf.if %cond3A_139 {
      %sub3A = arith.subi %get3A_129, %mul3A_8 : i32
      %get3A_608 = arith.constant 0 : index
      %get3A_609 = arith.constant 0 : index
      %get3A_610 = arith.index_cast %sub3A : i32 to index
      %get3A_611 = arith.constant 0 : index
      %get3A_612 = vector.load %arg7[%get3A_608, %get3A_609, %get3A_610, %get3A_611] : memref<1x1x1024x2048xf32, #tpu.memory_space<vmem>>, vector<1x1x1x2048xf32>
      %get3A_613 = vector.shape_cast %get3A_612 : vector<1x1x1x2048xf32> to vector<1x2048xf32>
      %get3A_614 = arith.constant 10 : index
      %get3A_615 = arith.constant 0 : index
      %get3A_616 = vector.load %arg5[%get3A_614, %get3A_615] : memref<64x2048xf32, #tpu.memory_space<vmem>>, vector<1x2048xf32>
      %slice3A = vector.extract_strided_slice %exp3A {offsets = [0, 10], sizes = [1, 1], strides = [1, 1]} : vector<1x64xf32> to vector<1x1xf32>
      %mul3A_617 = vector.broadcast %slice3A : vector<1x1xf32> to vector<1x2048xf32>
      %mul3A_618 = arith.mulf %get3A_616, %mul3A_617 : vector<1x2048xf32>
      %eq3A = vector.broadcast %get3A_131 : i32 to vector<1x2048xi32>
      %eq3A_619 = arith.cmpi eq, %iota3A, %eq3A : vector<1x2048xi32>
      %select_n3A = arith.select %eq3A_619, %mul3A_618, %get3A_613 : vector<1x2048xi1>, vector<1x2048xf32>
      %swap3A_620 = arith.constant 0 : index
      %swap3A_621 = arith.constant 0 : index
      %swap3A_622 = arith.index_cast %sub3A : i32 to index
      %swap3A_623 = arith.constant 0 : index
      %swap3A_624 = vector.load %arg7[%swap3A_620, %swap3A_621, %swap3A_622, %swap3A_623] : memref<1x1x1024x2048xf32, #tpu.memory_space<vmem>>, vector<1x1x1x2048xf32>
      %swap3A_625 = vector.shape_cast %swap3A_624 : vector<1x1x1x2048xf32> to vector<1x2048xf32>
      %swap3A_626 = vector.shape_cast %select_n3A : vector<1x2048xf32> to vector<1x1x1x2048xf32>
      tpu.vector_store %arg7[%swap3A_620, %swap3A_621, %swap3A_622, %swap3A_623], %swap3A_626 {strides = array<i32>} : memref<1x1x1024x2048xf32, #tpu.memory_space<vmem>>, vector<1x1x1x2048xf32>,
    } else {
    }
    %get3A_140 = arith.constant 11 : index
    %get3A_141 = memref.load %arg2[%get3A_140] : memref<50xi32, #tpu.memory_space<smem>>
    %get3A_142 = arith.constant 11 : index
    %get3A_143 = memref.load %arg3[%get3A_142] : memref<50xi32, #tpu.memory_space<smem>>
    %ge3A_144 = arith.cmpi sge, %get3A_141, %mul3A_8 : i32
    %add3A_145 = arith.constant 1024 : i32
    %add3A_146 = arith.addi %mul3A_8, %add3A_145 : i32
    %lt3A_147 = arith.cmpi slt, %get3A_141, %add3A_146 : i32
    %and3A_148 = arith.andi %ge3A_144, %lt3A_147 : i1
    %convert_element_type3A_149 = arith.extui %and3A_148 : i1 to i32
    %cond3A_150 = arith.constant 0 : i32
    %cond3A_151 = arith.cmpi ne, %convert_element_type3A_149, %cond3A_150 : i32
    scf.if %cond3A_151 {
      %sub3A = arith.subi %get3A_141, %mul3A_8 : i32
      %get3A_608 = arith.constant 0 : index
      %get3A_609 = arith.constant 0 : index
      %get3A_610 = arith.index_cast %sub3A : i32 to index
      %get3A_611 = arith.constant 0 : index
      %get3A_612 = vector.load %arg7[%get3A_608, %get3A_609, %get3A_610, %get3A_611] : memref<1x1x1024x2048xf32, #tpu.memory_space<vmem>>, vector<1x1x1x2048xf32>
      %get3A_613 = vector.shape_cast %get3A_612 : vector<1x1x1x2048xf32> to vector<1x2048xf32>
      %get3A_614 = arith.constant 11 : index
      %get3A_615 = arith.constant 0 : index
      %get3A_616 = vector.load %arg5[%get3A_614, %get3A_615] : memref<64x2048xf32, #tpu.memory_space<vmem>>, vector<1x2048xf32>
      %slice3A = vector.extract_strided_slice %exp3A {offsets = [0, 11], sizes = [1, 1], strides = [1, 1]} : vector<1x64xf32> to vector<1x1xf32>
      %mul3A_617 = vector.broadcast %slice3A : vector<1x1xf32> to vector<1x2048xf32>
      %mul3A_618 = arith.mulf %get3A_616, %mul3A_617 : vector<1x2048xf32>
      %eq3A = vector.broadcast %get3A_143 : i32 to vector<1x2048xi32>
      %eq3A_619 = arith.cmpi eq, %iota3A, %eq3A : vector<1x2048xi32>
      %select_n3A = arith.select %eq3A_619, %mul3A_618, %get3A_613 : vector<1x2048xi1>, vector<1x2048xf32>
      %swap3A_620 = arith.constant 0 : index
      %swap3A_621 = arith.constant 0 : index
      %swap3A_622 = arith.index_cast %sub3A : i32 to index
      %swap3A_623 = arith.constant 0 : index
      %swap3A_624 = vector.load %arg7[%swap3A_620, %swap3A_621, %swap3A_622, %swap3A_623] : memref<1x1x1024x2048xf32, #tpu.memory_space<vmem>>, vector<1x1x1x2048xf32>
      %swap3A_625 = vector.shape_cast %swap3A_624 : vector<1x1x1x2048xf32> to vector<1x2048xf32>
      %swap3A_626 = vector.shape_cast %select_n3A : vector<1x2048xf32> to vector<1x1x1x2048xf32>
      tpu.vector_store %arg7[%swap3A_620, %swap3A_621, %swap3A_622, %swap3A_623], %swap3A_626 {strides = array<i32>} : memref<1x1x1024x2048xf32, #tpu.memory_space<vmem>>, vector<1x1x1x2048xf32>,
    } else {
    }
    %get3A_152 = arith.constant 12 : index
    %get3A_153 = memref.load %arg2[%get3A_152] : memref<50xi32, #tpu.memory_space<smem>>
    %get3A_154 = arith.constant 12 : index
    %get3A_155 = memref.load %arg3[%get3A_154] : memref<50xi32, #tpu.memory_space<smem>>
    %ge3A_156 = arith.cmpi sge, %get3A_153, %mul3A_8 : i32
    %add3A_157 = arith.constant 1024 : i32
    %add3A_158 = arith.addi %mul3A_8, %add3A_157 : i32
    %lt3A_159 = arith.cmpi slt, %get3A_153, %add3A_158 : i32
    %and3A_160 = arith.andi %ge3A_156, %lt3A_159 : i1
    %convert_element_type3A_161 = arith.extui %and3A_160 : i1 to i32
    %cond3A_162 = arith.constant 0 : i32
    %cond3A_163 = arith.cmpi ne, %convert_element_type3A_161, %cond3A_162 : i32
    scf.if %cond3A_163 {
      %sub3A = arith.subi %get3A_153, %mul3A_8 : i32
      %get3A_608 = arith.constant 0 : index
      %get3A_609 = arith.constant 0 : index
      %get3A_610 = arith.index_cast %sub3A : i32 to index
      %get3A_611 = arith.constant 0 : index
      %get3A_612 = vector.load %arg7[%get3A_608, %get3A_609, %get3A_610, %get3A_611] : memref<1x1x1024x2048xf32, #tpu.memory_space<vmem>>, vector<1x1x1x2048xf32>
      %get3A_613 = vector.shape_cast %get3A_612 : vector<1x1x1x2048xf32> to vector<1x2048xf32>
      %get3A_614 = arith.constant 12 : index
      %get3A_615 = arith.constant 0 : index
      %get3A_616 = vector.load %arg5[%get3A_614, %get3A_615] : memref<64x2048xf32, #tpu.memory_space<vmem>>, vector<1x2048xf32>
      %slice3A = vector.extract_strided_slice %exp3A {offsets = [0, 12], sizes = [1, 1], strides = [1, 1]} : vector<1x64xf32> to vector<1x1xf32>
      %mul3A_617 = vector.broadcast %slice3A : vector<1x1xf32> to vector<1x2048xf32>
      %mul3A_618 = arith.mulf %get3A_616, %mul3A_617 : vector<1x2048xf32>
      %eq3A = vector.broadcast %get3A_155 : i32 to vector<1x2048xi32>
      %eq3A_619 = arith.cmpi eq, %iota3A, %eq3A : vector<1x2048xi32>
      %select_n3A = arith.select %eq3A_619, %mul3A_618, %get3A_613 : vector<1x2048xi1>, vector<1x2048xf32>
      %swap3A_620 = arith.constant 0 : index
      %swap3A_621 = arith.constant 0 : index
      %swap3A_622 = arith.index_cast %sub3A : i32 to index
      %swap3A_623 = arith.constant 0 : index
      %swap3A_624 = vector.load %arg7[%swap3A_620, %swap3A_621, %swap3A_622, %swap3A_623] : memref<1x1x1024x2048xf32, #tpu.memory_space<vmem>>, vector<1x1x1x2048xf32>
      %swap3A_625 = vector.shape_cast %swap3A_624 : vector<1x1x1x2048xf32> to vector<1x2048xf32>
      %swap3A_626 = vector.shape_cast %select_n3A : vector<1x2048xf32> to vector<1x1x1x2048xf32>
      tpu.vector_store %arg7[%swap3A_620, %swap3A_621, %swap3A_622, %swap3A_623], %swap3A_626 {strides = array<i32>} : memref<1x1x1024x2048xf32, #tpu.memory_space<vmem>>, vector<1x1x1x2048xf32>,
    } else {
    }
    %get3A_164 = arith.constant 13 : index
    %get3A_165 = memref.load %arg2[%get3A_164] : memref<50xi32, #tpu.memory_space<smem>>
    %get3A_166 = arith.constant 13 : index
    %get3A_167 = memref.load %arg3[%get3A_166] : memref<50xi32, #tpu.memory_space<smem>>
    %ge3A_168 = arith.cmpi sge, %get3A_165, %mul3A_8 : i32
    %add3A_169 = arith.constant 1024 : i32
    %add3A_170 = arith.addi %mul3A_8, %add3A_169 : i32
    %lt3A_171 = arith.cmpi slt, %get3A_165, %add3A_170 : i32
    %and3A_172 = arith.andi %ge3A_168, %lt3A_171 : i1
    %convert_element_type3A_173 = arith.extui %and3A_172 : i1 to i32
    %cond3A_174 = arith.constant 0 : i32
    %cond3A_175 = arith.cmpi ne, %convert_element_type3A_173, %cond3A_174 : i32
    scf.if %cond3A_175 {
      %sub3A = arith.subi %get3A_165, %mul3A_8 : i32
      %get3A_608 = arith.constant 0 : index
      %get3A_609 = arith.constant 0 : index
      %get3A_610 = arith.index_cast %sub3A : i32 to index
      %get3A_611 = arith.constant 0 : index
      %get3A_612 = vector.load %arg7[%get3A_608, %get3A_609, %get3A_610, %get3A_611] : memref<1x1x1024x2048xf32, #tpu.memory_space<vmem>>, vector<1x1x1x2048xf32>
      %get3A_613 = vector.shape_cast %get3A_612 : vector<1x1x1x2048xf32> to vector<1x2048xf32>
      %get3A_614 = arith.constant 13 : index
      %get3A_615 = arith.constant 0 : index
      %get3A_616 = vector.load %arg5[%get3A_614, %get3A_615] : memref<64x2048xf32, #tpu.memory_space<vmem>>, vector<1x2048xf32>
      %slice3A = vector.extract_strided_slice %exp3A {offsets = [0, 13], sizes = [1, 1], strides = [1, 1]} : vector<1x64xf32> to vector<1x1xf32>
      %mul3A_617 = vector.broadcast %slice3A : vector<1x1xf32> to vector<1x2048xf32>
      %mul3A_618 = arith.mulf %get3A_616, %mul3A_617 : vector<1x2048xf32>
      %eq3A = vector.broadcast %get3A_167 : i32 to vector<1x2048xi32>
      %eq3A_619 = arith.cmpi eq, %iota3A, %eq3A : vector<1x2048xi32>
      %select_n3A = arith.select %eq3A_619, %mul3A_618, %get3A_613 : vector<1x2048xi1>, vector<1x2048xf32>
      %swap3A_620 = arith.constant 0 : index
      %swap3A_621 = arith.constant 0 : index
      %swap3A_622 = arith.index_cast %sub3A : i32 to index
      %swap3A_623 = arith.constant 0 : index
      %swap3A_624 = vector.load %arg7[%swap3A_620, %swap3A_621, %swap3A_622, %swap3A_623] : memref<1x1x1024x2048xf32, #tpu.memory_space<vmem>>, vector<1x1x1x2048xf32>
      %swap3A_625 = vector.shape_cast %swap3A_624 : vector<1x1x1x2048xf32> to vector<1x2048xf32>
      %swap3A_626 = vector.shape_cast %select_n3A : vector<1x2048xf32> to vector<1x1x1x2048xf32>
      tpu.vector_store %arg7[%swap3A_620, %swap3A_621, %swap3A_622, %swap3A_623], %swap3A_626 {strides = array<i32>} : memref<1x1x1024x2048xf32, #tpu.memory_space<vmem>>, vector<1x1x1x2048xf32>,
    } else {
    }
    %get3A_176 = arith.constant 14 : index
    %get3A_177 = memref.load %arg2[%get3A_176] : memref<50xi32, #tpu.memory_space<smem>>
    %get3A_178 = arith.constant 14 : index
    %get3A_179 = memref.load %arg3[%get3A_178] : memref<50xi32, #tpu.memory_space<smem>>
    %ge3A_180 = arith.cmpi sge, %get3A_177, %mul3A_8 : i32
    %add3A_181 = arith.constant 1024 : i32
    %add3A_182 = arith.addi %mul3A_8, %add3A_181 : i32
    %lt3A_183 = arith.cmpi slt, %get3A_177, %add3A_182 : i32
    %and3A_184 = arith.andi %ge3A_180, %lt3A_183 : i1
    %convert_element_type3A_185 = arith.extui %and3A_184 : i1 to i32
    %cond3A_186 = arith.constant 0 : i32
    %cond3A_187 = arith.cmpi ne, %convert_element_type3A_185, %cond3A_186 : i32
    scf.if %cond3A_187 {
      %sub3A = arith.subi %get3A_177, %mul3A_8 : i32
      %get3A_608 = arith.constant 0 : index
      %get3A_609 = arith.constant 0 : index
      %get3A_610 = arith.index_cast %sub3A : i32 to index
      %get3A_611 = arith.constant 0 : index
      %get3A_612 = vector.load %arg7[%get3A_608, %get3A_609, %get3A_610, %get3A_611] : memref<1x1x1024x2048xf32, #tpu.memory_space<vmem>>, vector<1x1x1x2048xf32>
      %get3A_613 = vector.shape_cast %get3A_612 : vector<1x1x1x2048xf32> to vector<1x2048xf32>
      %get3A_614 = arith.constant 14 : index
      %get3A_615 = arith.constant 0 : index
      %get3A_616 = vector.load %arg5[%get3A_614, %get3A_615] : memref<64x2048xf32, #tpu.memory_space<vmem>>, vector<1x2048xf32>
      %slice3A = vector.extract_strided_slice %exp3A {offsets = [0, 14], sizes = [1, 1], strides = [1, 1]} : vector<1x64xf32> to vector<1x1xf32>
      %mul3A_617 = vector.broadcast %slice3A : vector<1x1xf32> to vector<1x2048xf32>
      %mul3A_618 = arith.mulf %get3A_616, %mul3A_617 : vector<1x2048xf32>
      %eq3A = vector.broadcast %get3A_179 : i32 to vector<1x2048xi32>
      %eq3A_619 = arith.cmpi eq, %iota3A, %eq3A : vector<1x2048xi32>
      %select_n3A = arith.select %eq3A_619, %mul3A_618, %get3A_613 : vector<1x2048xi1>, vector<1x2048xf32>
      %swap3A_620 = arith.constant 0 : index
      %swap3A_621 = arith.constant 0 : index
      %swap3A_622 = arith.index_cast %sub3A : i32 to index
      %swap3A_623 = arith.constant 0 : index
      %swap3A_624 = vector.load %arg7[%swap3A_620, %swap3A_621, %swap3A_622, %swap3A_623] : memref<1x1x1024x2048xf32, #tpu.memory_space<vmem>>, vector<1x1x1x2048xf32>
      %swap3A_625 = vector.shape_cast %swap3A_624 : vector<1x1x1x2048xf32> to vector<1x2048xf32>
      %swap3A_626 = vector.shape_cast %select_n3A : vector<1x2048xf32> to vector<1x1x1x2048xf32>
      tpu.vector_store %arg7[%swap3A_620, %swap3A_621, %swap3A_622, %swap3A_623], %swap3A_626 {strides = array<i32>} : memref<1x1x1024x2048xf32, #tpu.memory_space<vmem>>, vector<1x1x1x2048xf32>,
    } else {
    }
    %get3A_188 = arith.constant 15 : index
    %get3A_189 = memref.load %arg2[%get3A_188] : memref<50xi32, #tpu.memory_space<smem>>
    %get3A_190 = arith.constant 15 : index
    %get3A_191 = memref.load %arg3[%get3A_190] : memref<50xi32, #tpu.memory_space<smem>>
    %ge3A_192 = arith.cmpi sge, %get3A_189, %mul3A_8 : i32
    %add3A_193 = arith.constant 1024 : i32
    %add3A_194 = arith.addi %mul3A_8, %add3A_193 : i32
    %lt3A_195 = arith.cmpi slt, %get3A_189, %add3A_194 : i32
    %and3A_196 = arith.andi %ge3A_192, %lt3A_195 : i1
    %convert_element_type3A_197 = arith.extui %and3A_196 : i1 to i32
    %cond3A_198 = arith.constant 0 : i32
    %cond3A_199 = arith.cmpi ne, %convert_element_type3A_197, %cond3A_198 : i32
    scf.if %cond3A_199 {
      %sub3A = arith.subi %get3A_189, %mul3A_8 : i32
      %get3A_608 = arith.constant 0 : index
      %get3A_609 = arith.constant 0 : index
      %get3A_610 = arith.index_cast %sub3A : i32 to index
      %get3A_611 = arith.constant 0 : index
      %get3A_612 = vector.load %arg7[%get3A_608, %get3A_609, %get3A_610, %get3A_611] : memref<1x1x1024x2048xf32, #tpu.memory_space<vmem>>, vector<1x1x1x2048xf32>
      %get3A_613 = vector.shape_cast %get3A_612 : vector<1x1x1x2048xf32> to vector<1x2048xf32>
      %get3A_614 = arith.constant 15 : index
      %get3A_615 = arith.constant 0 : index
      %get3A_616 = vector.load %arg5[%get3A_614, %get3A_615] : memref<64x2048xf32, #tpu.memory_space<vmem>>, vector<1x2048xf32>
      %slice3A = vector.extract_strided_slice %exp3A {offsets = [0, 15], sizes = [1, 1], strides = [1, 1]} : vector<1x64xf32> to vector<1x1xf32>
      %mul3A_617 = vector.broadcast %slice3A : vector<1x1xf32> to vector<1x2048xf32>
      %mul3A_618 = arith.mulf %get3A_616, %mul3A_617 : vector<1x2048xf32>
      %eq3A = vector.broadcast %get3A_191 : i32 to vector<1x2048xi32>
      %eq3A_619 = arith.cmpi eq, %iota3A, %eq3A : vector<1x2048xi32>
      %select_n3A = arith.select %eq3A_619, %mul3A_618, %get3A_613 : vector<1x2048xi1>, vector<1x2048xf32>
      %swap3A_620 = arith.constant 0 : index
      %swap3A_621 = arith.constant 0 : index
      %swap3A_622 = arith.index_cast %sub3A : i32 to index
      %swap3A_623 = arith.constant 0 : index
      %swap3A_624 = vector.load %arg7[%swap3A_620, %swap3A_621, %swap3A_622, %swap3A_623] : memref<1x1x1024x2048xf32, #tpu.memory_space<vmem>>, vector<1x1x1x2048xf32>
      %swap3A_625 = vector.shape_cast %swap3A_624 : vector<1x1x1x2048xf32> to vector<1x2048xf32>
      %swap3A_626 = vector.shape_cast %select_n3A : vector<1x2048xf32> to vector<1x1x1x2048xf32>
      tpu.vector_store %arg7[%swap3A_620, %swap3A_621, %swap3A_622, %swap3A_623], %swap3A_626 {strides = array<i32>} : memref<1x1x1024x2048xf32, #tpu.memory_space<vmem>>, vector<1x1x1x2048xf32>,
    } else {
    }
    %get3A_200 = arith.constant 16 : index
    %get3A_201 = memref.load %arg2[%get3A_200] : memref<50xi32, #tpu.memory_space<smem>>
    %get3A_202 = arith.constant 16 : index
    %get3A_203 = memref.load %arg3[%get3A_202] : memref<50xi32, #tpu.memory_space<smem>>
    %ge3A_204 = arith.cmpi sge, %get3A_201, %mul3A_8 : i32
    %add3A_205 = arith.constant 1024 : i32
    %add3A_206 = arith.addi %mul3A_8, %add3A_205 : i32
    %lt3A_207 = arith.cmpi slt, %get3A_201, %add3A_206 : i32
    %and3A_208 = arith.andi %ge3A_204, %lt3A_207 : i1
    %convert_element_type3A_209 = arith.extui %and3A_208 : i1 to i32
    %cond3A_210 = arith.constant 0 : i32
    %cond3A_211 = arith.cmpi ne, %convert_element_type3A_209, %cond3A_210 : i32
    scf.if %cond3A_211 {
      %sub3A = arith.subi %get3A_201, %mul3A_8 : i32
      %get3A_608 = arith.constant 0 : index
      %get3A_609 = arith.constant 0 : index
      %get3A_610 = arith.index_cast %sub3A : i32 to index
      %get3A_611 = arith.constant 0 : index
      %get3A_612 = vector.load %arg7[%get3A_608, %get3A_609, %get3A_610, %get3A_611] : memref<1x1x1024x2048xf32, #tpu.memory_space<vmem>>, vector<1x1x1x2048xf32>
      %get3A_613 = vector.shape_cast %get3A_612 : vector<1x1x1x2048xf32> to vector<1x2048xf32>
      %get3A_614 = arith.constant 16 : index
      %get3A_615 = arith.constant 0 : index
      %get3A_616 = vector.load %arg5[%get3A_614, %get3A_615] : memref<64x2048xf32, #tpu.memory_space<vmem>>, vector<1x2048xf32>
      %slice3A = vector.extract_strided_slice %exp3A {offsets = [0, 16], sizes = [1, 1], strides = [1, 1]} : vector<1x64xf32> to vector<1x1xf32>
      %mul3A_617 = vector.broadcast %slice3A : vector<1x1xf32> to vector<1x2048xf32>
      %mul3A_618 = arith.mulf %get3A_616, %mul3A_617 : vector<1x2048xf32>
      %eq3A = vector.broadcast %get3A_203 : i32 to vector<1x2048xi32>
      %eq3A_619 = arith.cmpi eq, %iota3A, %eq3A : vector<1x2048xi32>
      %select_n3A = arith.select %eq3A_619, %mul3A_618, %get3A_613 : vector<1x2048xi1>, vector<1x2048xf32>
      %swap3A_620 = arith.constant 0 : index
      %swap3A_621 = arith.constant 0 : index
      %swap3A_622 = arith.index_cast %sub3A : i32 to index
      %swap3A_623 = arith.constant 0 : index
      %swap3A_624 = vector.load %arg7[%swap3A_620, %swap3A_621, %swap3A_622, %swap3A_623] : memref<1x1x1024x2048xf32, #tpu.memory_space<vmem>>, vector<1x1x1x2048xf32>
      %swap3A_625 = vector.shape_cast %swap3A_624 : vector<1x1x1x2048xf32> to vector<1x2048xf32>
      %swap3A_626 = vector.shape_cast %select_n3A : vector<1x2048xf32> to vector<1x1x1x2048xf32>
      tpu.vector_store %arg7[%swap3A_620, %swap3A_621, %swap3A_622, %swap3A_623], %swap3A_626 {strides = array<i32>} : memref<1x1x1024x2048xf32, #tpu.memory_space<vmem>>, vector<1x1x1x2048xf32>,
    } else {
    }
    %get3A_212 = arith.constant 17 : index
    %get3A_213 = memref.load %arg2[%get3A_212] : memref<50xi32, #tpu.memory_space<smem>>
    %get3A_214 = arith.constant 17 : index
    %get3A_215 = memref.load %arg3[%get3A_214] : memref<50xi32, #tpu.memory_space<smem>>
    %ge3A_216 = arith.cmpi sge, %get3A_213, %mul3A_8 : i32
    %add3A_217 = arith.constant 1024 : i32
    %add3A_218 = arith.addi %mul3A_8, %add3A_217 : i32
    %lt3A_219 = arith.cmpi slt, %get3A_213, %add3A_218 : i32
    %and3A_220 = arith.andi %ge3A_216, %lt3A_219 : i1
    %convert_element_type3A_221 = arith.extui %and3A_220 : i1 to i32
    %cond3A_222 = arith.constant 0 : i32
    %cond3A_223 = arith.cmpi ne, %convert_element_type3A_221, %cond3A_222 : i32
    scf.if %cond3A_223 {
      %sub3A = arith.subi %get3A_213, %mul3A_8 : i32
      %get3A_608 = arith.constant 0 : index
      %get3A_609 = arith.constant 0 : index
      %get3A_610 = arith.index_cast %sub3A : i32 to index
      %get3A_611 = arith.constant 0 : index
      %get3A_612 = vector.load %arg7[%get3A_608, %get3A_609, %get3A_610, %get3A_611] : memref<1x1x1024x2048xf32, #tpu.memory_space<vmem>>, vector<1x1x1x2048xf32>
      %get3A_613 = vector.shape_cast %get3A_612 : vector<1x1x1x2048xf32> to vector<1x2048xf32>
      %get3A_614 = arith.constant 17 : index
      %get3A_615 = arith.constant 0 : index
      %get3A_616 = vector.load %arg5[%get3A_614, %get3A_615] : memref<64x2048xf32, #tpu.memory_space<vmem>>, vector<1x2048xf32>
      %slice3A = vector.extract_strided_slice %exp3A {offsets = [0, 17], sizes = [1, 1], strides = [1, 1]} : vector<1x64xf32> to vector<1x1xf32>
      %mul3A_617 = vector.broadcast %slice3A : vector<1x1xf32> to vector<1x2048xf32>
      %mul3A_618 = arith.mulf %get3A_616, %mul3A_617 : vector<1x2048xf32>
      %eq3A = vector.broadcast %get3A_215 : i32 to vector<1x2048xi32>
      %eq3A_619 = arith.cmpi eq, %iota3A, %eq3A : vector<1x2048xi32>
      %select_n3A = arith.select %eq3A_619, %mul3A_618, %get3A_613 : vector<1x2048xi1>, vector<1x2048xf32>
      %swap3A_620 = arith.constant 0 : index
      %swap3A_621 = arith.constant 0 : index
      %swap3A_622 = arith.index_cast %sub3A : i32 to index
      %swap3A_623 = arith.constant 0 : index
      %swap3A_624 = vector.load %arg7[%swap3A_620, %swap3A_621, %swap3A_622, %swap3A_623] : memref<1x1x1024x2048xf32, #tpu.memory_space<vmem>>, vector<1x1x1x2048xf32>
      %swap3A_625 = vector.shape_cast %swap3A_624 : vector<1x1x1x2048xf32> to vector<1x2048xf32>
      %swap3A_626 = vector.shape_cast %select_n3A : vector<1x2048xf32> to vector<1x1x1x2048xf32>
      tpu.vector_store %arg7[%swap3A_620, %swap3A_621, %swap3A_622, %swap3A_623], %swap3A_626 {strides = array<i32>} : memref<1x1x1024x2048xf32, #tpu.memory_space<vmem>>, vector<1x1x1x2048xf32>,
    } else {
    }
    %get3A_224 = arith.constant 18 : index
    %get3A_225 = memref.load %arg2[%get3A_224] : memref<50xi32, #tpu.memory_space<smem>>
    %get3A_226 = arith.constant 18 : index
    %get3A_227 = memref.load %arg3[%get3A_226] : memref<50xi32, #tpu.memory_space<smem>>
    %ge3A_228 = arith.cmpi sge, %get3A_225, %mul3A_8 : i32
    %add3A_229 = arith.constant 1024 : i32
    %add3A_230 = arith.addi %mul3A_8, %add3A_229 : i32
    %lt3A_231 = arith.cmpi slt, %get3A_225, %add3A_230 : i32
    %and3A_232 = arith.andi %ge3A_228, %lt3A_231 : i1
    %convert_element_type3A_233 = arith.extui %and3A_232 : i1 to i32
    %cond3A_234 = arith.constant 0 : i32
    %cond3A_235 = arith.cmpi ne, %convert_element_type3A_233, %cond3A_234 : i32
    scf.if %cond3A_235 {
      %sub3A = arith.subi %get3A_225, %mul3A_8 : i32
      %get3A_608 = arith.constant 0 : index
      %get3A_609 = arith.constant 0 : index
      %get3A_610 = arith.index_cast %sub3A : i32 to index
      %get3A_611 = arith.constant 0 : index
      %get3A_612 = vector.load %arg7[%get3A_608, %get3A_609, %get3A_610, %get3A_611] : memref<1x1x1024x2048xf32, #tpu.memory_space<vmem>>, vector<1x1x1x2048xf32>
      %get3A_613 = vector.shape_cast %get3A_612 : vector<1x1x1x2048xf32> to vector<1x2048xf32>
      %get3A_614 = arith.constant 18 : index
      %get3A_615 = arith.constant 0 : index
      %get3A_616 = vector.load %arg5[%get3A_614, %get3A_615] : memref<64x2048xf32, #tpu.memory_space<vmem>>, vector<1x2048xf32>
      %slice3A = vector.extract_strided_slice %exp3A {offsets = [0, 18], sizes = [1, 1], strides = [1, 1]} : vector<1x64xf32> to vector<1x1xf32>
      %mul3A_617 = vector.broadcast %slice3A : vector<1x1xf32> to vector<1x2048xf32>
      %mul3A_618 = arith.mulf %get3A_616, %mul3A_617 : vector<1x2048xf32>
      %eq3A = vector.broadcast %get3A_227 : i32 to vector<1x2048xi32>
      %eq3A_619 = arith.cmpi eq, %iota3A, %eq3A : vector<1x2048xi32>
      %select_n3A = arith.select %eq3A_619, %mul3A_618, %get3A_613 : vector<1x2048xi1>, vector<1x2048xf32>
      %swap3A_620 = arith.constant 0 : index
      %swap3A_621 = arith.constant 0 : index
      %swap3A_622 = arith.index_cast %sub3A : i32 to index
      %swap3A_623 = arith.constant 0 : index
      %swap3A_624 = vector.load %arg7[%swap3A_620, %swap3A_621, %swap3A_622, %swap3A_623] : memref<1x1x1024x2048xf32, #tpu.memory_space<vmem>>, vector<1x1x1x2048xf32>
      %swap3A_625 = vector.shape_cast %swap3A_624 : vector<1x1x1x2048xf32> to vector<1x2048xf32>
      %swap3A_626 = vector.shape_cast %select_n3A : vector<1x2048xf32> to vector<1x1x1x2048xf32>
      tpu.vector_store %arg7[%swap3A_620, %swap3A_621, %swap3A_622, %swap3A_623], %swap3A_626 {strides = array<i32>} : memref<1x1x1024x2048xf32, #tpu.memory_space<vmem>>, vector<1x1x1x2048xf32>,
    } else {
    }
    %get3A_236 = arith.constant 19 : index
    %get3A_237 = memref.load %arg2[%get3A_236] : memref<50xi32, #tpu.memory_space<smem>>
    %get3A_238 = arith.constant 19 : index
    %get3A_239 = memref.load %arg3[%get3A_238] : memref<50xi32, #tpu.memory_space<smem>>
    %ge3A_240 = arith.cmpi sge, %get3A_237, %mul3A_8 : i32
    %add3A_241 = arith.constant 1024 : i32
    %add3A_242 = arith.addi %mul3A_8, %add3A_241 : i32
    %lt3A_243 = arith.cmpi slt, %get3A_237, %add3A_242 : i32
    %and3A_244 = arith.andi %ge3A_240, %lt3A_243 : i1
    %convert_element_type3A_245 = arith.extui %and3A_244 : i1 to i32
    %cond3A_246 = arith.constant 0 : i32
    %cond3A_247 = arith.cmpi ne, %convert_element_type3A_245, %cond3A_246 : i32
    scf.if %cond3A_247 {
      %sub3A = arith.subi %get3A_237, %mul3A_8 : i32
      %get3A_608 = arith.constant 0 : index
      %get3A_609 = arith.constant 0 : index
      %get3A_610 = arith.index_cast %sub3A : i32 to index
      %get3A_611 = arith.constant 0 : index
      %get3A_612 = vector.load %arg7[%get3A_608, %get3A_609, %get3A_610, %get3A_611] : memref<1x1x1024x2048xf32, #tpu.memory_space<vmem>>, vector<1x1x1x2048xf32>
      %get3A_613 = vector.shape_cast %get3A_612 : vector<1x1x1x2048xf32> to vector<1x2048xf32>
      %get3A_614 = arith.constant 19 : index
      %get3A_615 = arith.constant 0 : index
      %get3A_616 = vector.load %arg5[%get3A_614, %get3A_615] : memref<64x2048xf32, #tpu.memory_space<vmem>>, vector<1x2048xf32>
      %slice3A = vector.extract_strided_slice %exp3A {offsets = [0, 19], sizes = [1, 1], strides = [1, 1]} : vector<1x64xf32> to vector<1x1xf32>
      %mul3A_617 = vector.broadcast %slice3A : vector<1x1xf32> to vector<1x2048xf32>
      %mul3A_618 = arith.mulf %get3A_616, %mul3A_617 : vector<1x2048xf32>
      %eq3A = vector.broadcast %get3A_239 : i32 to vector<1x2048xi32>
      %eq3A_619 = arith.cmpi eq, %iota3A, %eq3A : vector<1x2048xi32>
      %select_n3A = arith.select %eq3A_619, %mul3A_618, %get3A_613 : vector<1x2048xi1>, vector<1x2048xf32>
      %swap3A_620 = arith.constant 0 : index
      %swap3A_621 = arith.constant 0 : index
      %swap3A_622 = arith.index_cast %sub3A : i32 to index
      %swap3A_623 = arith.constant 0 : index
      %swap3A_624 = vector.load %arg7[%swap3A_620, %swap3A_621, %swap3A_622, %swap3A_623] : memref<1x1x1024x2048xf32, #tpu.memory_space<vmem>>, vector<1x1x1x2048xf32>
      %swap3A_625 = vector.shape_cast %swap3A_624 : vector<1x1x1x2048xf32> to vector<1x2048xf32>
      %swap3A_626 = vector.shape_cast %select_n3A : vector<1x2048xf32> to vector<1x1x1x2048xf32>
      tpu.vector_store %arg7[%swap3A_620, %swap3A_621, %swap3A_622, %swap3A_623], %swap3A_626 {strides = array<i32>} : memref<1x1x1024x2048xf32, #tpu.memory_space<vmem>>, vector<1x1x1x2048xf32>,
    } else {
    }
    %get3A_248 = arith.constant 20 : index
    %get3A_249 = memref.load %arg2[%get3A_248] : memref<50xi32, #tpu.memory_space<smem>>
    %get3A_250 = arith.constant 20 : index
    %get3A_251 = memref.load %arg3[%get3A_250] : memref<50xi32, #tpu.memory_space<smem>>
    %ge3A_252 = arith.cmpi sge, %get3A_249, %mul3A_8 : i32
    %add3A_253 = arith.constant 1024 : i32
    %add3A_254 = arith.addi %mul3A_8, %add3A_253 : i32
    %lt3A_255 = arith.cmpi slt, %get3A_249, %add3A_254 : i32
    %and3A_256 = arith.andi %ge3A_252, %lt3A_255 : i1
    %convert_element_type3A_257 = arith.extui %and3A_256 : i1 to i32
    %cond3A_258 = arith.constant 0 : i32
    %cond3A_259 = arith.cmpi ne, %convert_element_type3A_257, %cond3A_258 : i32
    scf.if %cond3A_259 {
      %sub3A = arith.subi %get3A_249, %mul3A_8 : i32
      %get3A_608 = arith.constant 0 : index
      %get3A_609 = arith.constant 0 : index
      %get3A_610 = arith.index_cast %sub3A : i32 to index
      %get3A_611 = arith.constant 0 : index
      %get3A_612 = vector.load %arg7[%get3A_608, %get3A_609, %get3A_610, %get3A_611] : memref<1x1x1024x2048xf32, #tpu.memory_space<vmem>>, vector<1x1x1x2048xf32>
      %get3A_613 = vector.shape_cast %get3A_612 : vector<1x1x1x2048xf32> to vector<1x2048xf32>
      %get3A_614 = arith.constant 20 : index
      %get3A_615 = arith.constant 0 : index
      %get3A_616 = vector.load %arg5[%get3A_614, %get3A_615] : memref<64x2048xf32, #tpu.memory_space<vmem>>, vector<1x2048xf32>
      %slice3A = vector.extract_strided_slice %exp3A {offsets = [0, 20], sizes = [1, 1], strides = [1, 1]} : vector<1x64xf32> to vector<1x1xf32>
      %mul3A_617 = vector.broadcast %slice3A : vector<1x1xf32> to vector<1x2048xf32>
      %mul3A_618 = arith.mulf %get3A_616, %mul3A_617 : vector<1x2048xf32>
      %eq3A = vector.broadcast %get3A_251 : i32 to vector<1x2048xi32>
      %eq3A_619 = arith.cmpi eq, %iota3A, %eq3A : vector<1x2048xi32>
      %select_n3A = arith.select %eq3A_619, %mul3A_618, %get3A_613 : vector<1x2048xi1>, vector<1x2048xf32>
      %swap3A_620 = arith.constant 0 : index
      %swap3A_621 = arith.constant 0 : index
      %swap3A_622 = arith.index_cast %sub3A : i32 to index
      %swap3A_623 = arith.constant 0 : index
      %swap3A_624 = vector.load %arg7[%swap3A_620, %swap3A_621, %swap3A_622, %swap3A_623] : memref<1x1x1024x2048xf32, #tpu.memory_space<vmem>>, vector<1x1x1x2048xf32>
      %swap3A_625 = vector.shape_cast %swap3A_624 : vector<1x1x1x2048xf32> to vector<1x2048xf32>
      %swap3A_626 = vector.shape_cast %select_n3A : vector<1x2048xf32> to vector<1x1x1x2048xf32>
      tpu.vector_store %arg7[%swap3A_620, %swap3A_621, %swap3A_622, %swap3A_623], %swap3A_626 {strides = array<i32>} : memref<1x1x1024x2048xf32, #tpu.memory_space<vmem>>, vector<1x1x1x2048xf32>,
    } else {
    }
    %get3A_260 = arith.constant 21 : index
    %get3A_261 = memref.load %arg2[%get3A_260] : memref<50xi32, #tpu.memory_space<smem>>
    %get3A_262 = arith.constant 21 : index
    %get3A_263 = memref.load %arg3[%get3A_262] : memref<50xi32, #tpu.memory_space<smem>>
    %ge3A_264 = arith.cmpi sge, %get3A_261, %mul3A_8 : i32
    %add3A_265 = arith.constant 1024 : i32
    %add3A_266 = arith.addi %mul3A_8, %add3A_265 : i32
    %lt3A_267 = arith.cmpi slt, %get3A_261, %add3A_266 : i32
    %and3A_268 = arith.andi %ge3A_264, %lt3A_267 : i1
    %convert_element_type3A_269 = arith.extui %and3A_268 : i1 to i32
    %cond3A_270 = arith.constant 0 : i32
    %cond3A_271 = arith.cmpi ne, %convert_element_type3A_269, %cond3A_270 : i32
    scf.if %cond3A_271 {
      %sub3A = arith.subi %get3A_261, %mul3A_8 : i32
      %get3A_608 = arith.constant 0 : index
      %get3A_609 = arith.constant 0 : index
      %get3A_610 = arith.index_cast %sub3A : i32 to index
      %get3A_611 = arith.constant 0 : index
      %get3A_612 = vector.load %arg7[%get3A_608, %get3A_609, %get3A_610, %get3A_611] : memref<1x1x1024x2048xf32, #tpu.memory_space<vmem>>, vector<1x1x1x2048xf32>
      %get3A_613 = vector.shape_cast %get3A_612 : vector<1x1x1x2048xf32> to vector<1x2048xf32>
      %get3A_614 = arith.constant 21 : index
      %get3A_615 = arith.constant 0 : index
      %get3A_616 = vector.load %arg5[%get3A_614, %get3A_615] : memref<64x2048xf32, #tpu.memory_space<vmem>>, vector<1x2048xf32>
      %slice3A = vector.extract_strided_slice %exp3A {offsets = [0, 21], sizes = [1, 1], strides = [1, 1]} : vector<1x64xf32> to vector<1x1xf32>
      %mul3A_617 = vector.broadcast %slice3A : vector<1x1xf32> to vector<1x2048xf32>
      %mul3A_618 = arith.mulf %get3A_616, %mul3A_617 : vector<1x2048xf32>
      %eq3A = vector.broadcast %get3A_263 : i32 to vector<1x2048xi32>
      %eq3A_619 = arith.cmpi eq, %iota3A, %eq3A : vector<1x2048xi32>
      %select_n3A = arith.select %eq3A_619, %mul3A_618, %get3A_613 : vector<1x2048xi1>, vector<1x2048xf32>
      %swap3A_620 = arith.constant 0 : index
      %swap3A_621 = arith.constant 0 : index
      %swap3A_622 = arith.index_cast %sub3A : i32 to index
      %swap3A_623 = arith.constant 0 : index
      %swap3A_624 = vector.load %arg7[%swap3A_620, %swap3A_621, %swap3A_622, %swap3A_623] : memref<1x1x1024x2048xf32, #tpu.memory_space<vmem>>, vector<1x1x1x2048xf32>
      %swap3A_625 = vector.shape_cast %swap3A_624 : vector<1x1x1x2048xf32> to vector<1x2048xf32>
      %swap3A_626 = vector.shape_cast %select_n3A : vector<1x2048xf32> to vector<1x1x1x2048xf32>
      tpu.vector_store %arg7[%swap3A_620, %swap3A_621, %swap3A_622, %swap3A_623], %swap3A_626 {strides = array<i32>} : memref<1x1x1024x2048xf32, #tpu.memory_space<vmem>>, vector<1x1x1x2048xf32>,
    } else {
    }
    %get3A_272 = arith.constant 22 : index
    %get3A_273 = memref.load %arg2[%get3A_272] : memref<50xi32, #tpu.memory_space<smem>>
    %get3A_274 = arith.constant 22 : index
    %get3A_275 = memref.load %arg3[%get3A_274] : memref<50xi32, #tpu.memory_space<smem>>
    %ge3A_276 = arith.cmpi sge, %get3A_273, %mul3A_8 : i32
    %add3A_277 = arith.constant 1024 : i32
    %add3A_278 = arith.addi %mul3A_8, %add3A_277 : i32
    %lt3A_279 = arith.cmpi slt, %get3A_273, %add3A_278 : i32
    %and3A_280 = arith.andi %ge3A_276, %lt3A_279 : i1
    %convert_element_type3A_281 = arith.extui %and3A_280 : i1 to i32
    %cond3A_282 = arith.constant 0 : i32
    %cond3A_283 = arith.cmpi ne, %convert_element_type3A_281, %cond3A_282 : i32
    scf.if %cond3A_283 {
      %sub3A = arith.subi %get3A_273, %mul3A_8 : i32
      %get3A_608 = arith.constant 0 : index
      %get3A_609 = arith.constant 0 : index
      %get3A_610 = arith.index_cast %sub3A : i32 to index
      %get3A_611 = arith.constant 0 : index
      %get3A_612 = vector.load %arg7[%get3A_608, %get3A_609, %get3A_610, %get3A_611] : memref<1x1x1024x2048xf32, #tpu.memory_space<vmem>>, vector<1x1x1x2048xf32>
      %get3A_613 = vector.shape_cast %get3A_612 : vector<1x1x1x2048xf32> to vector<1x2048xf32>
      %get3A_614 = arith.constant 22 : index
      %get3A_615 = arith.constant 0 : index
      %get3A_616 = vector.load %arg5[%get3A_614, %get3A_615] : memref<64x2048xf32, #tpu.memory_space<vmem>>, vector<1x2048xf32>
      %slice3A = vector.extract_strided_slice %exp3A {offsets = [0, 22], sizes = [1, 1], strides = [1, 1]} : vector<1x64xf32> to vector<1x1xf32>
      %mul3A_617 = vector.broadcast %slice3A : vector<1x1xf32> to vector<1x2048xf32>
      %mul3A_618 = arith.mulf %get3A_616, %mul3A_617 : vector<1x2048xf32>
      %eq3A = vector.broadcast %get3A_275 : i32 to vector<1x2048xi32>
      %eq3A_619 = arith.cmpi eq, %iota3A, %eq3A : vector<1x2048xi32>
      %select_n3A = arith.select %eq3A_619, %mul3A_618, %get3A_613 : vector<1x2048xi1>, vector<1x2048xf32>
      %swap3A_620 = arith.constant 0 : index
      %swap3A_621 = arith.constant 0 : index
      %swap3A_622 = arith.index_cast %sub3A : i32 to index
      %swap3A_623 = arith.constant 0 : index
      %swap3A_624 = vector.load %arg7[%swap3A_620, %swap3A_621, %swap3A_622, %swap3A_623] : memref<1x1x1024x2048xf32, #tpu.memory_space<vmem>>, vector<1x1x1x2048xf32>
      %swap3A_625 = vector.shape_cast %swap3A_624 : vector<1x1x1x2048xf32> to vector<1x2048xf32>
      %swap3A_626 = vector.shape_cast %select_n3A : vector<1x2048xf32> to vector<1x1x1x2048xf32>
      tpu.vector_store %arg7[%swap3A_620, %swap3A_621, %swap3A_622, %swap3A_623], %swap3A_626 {strides = array<i32>} : memref<1x1x1024x2048xf32, #tpu.memory_space<vmem>>, vector<1x1x1x2048xf32>,
    } else {
    }
    %get3A_284 = arith.constant 23 : index
    %get3A_285 = memref.load %arg2[%get3A_284] : memref<50xi32, #tpu.memory_space<smem>>
    %get3A_286 = arith.constant 23 : index
    %get3A_287 = memref.load %arg3[%get3A_286] : memref<50xi32, #tpu.memory_space<smem>>
    %ge3A_288 = arith.cmpi sge, %get3A_285, %mul3A_8 : i32
    %add3A_289 = arith.constant 1024 : i32
    %add3A_290 = arith.addi %mul3A_8, %add3A_289 : i32
    %lt3A_291 = arith.cmpi slt, %get3A_285, %add3A_290 : i32
    %and3A_292 = arith.andi %ge3A_288, %lt3A_291 : i1
    %convert_element_type3A_293 = arith.extui %and3A_292 : i1 to i32
    %cond3A_294 = arith.constant 0 : i32
    %cond3A_295 = arith.cmpi ne, %convert_element_type3A_293, %cond3A_294 : i32
    scf.if %cond3A_295 {
      %sub3A = arith.subi %get3A_285, %mul3A_8 : i32
      %get3A_608 = arith.constant 0 : index
      %get3A_609 = arith.constant 0 : index
      %get3A_610 = arith.index_cast %sub3A : i32 to index
      %get3A_611 = arith.constant 0 : index
      %get3A_612 = vector.load %arg7[%get3A_608, %get3A_609, %get3A_610, %get3A_611] : memref<1x1x1024x2048xf32, #tpu.memory_space<vmem>>, vector<1x1x1x2048xf32>
      %get3A_613 = vector.shape_cast %get3A_612 : vector<1x1x1x2048xf32> to vector<1x2048xf32>
      %get3A_614 = arith.constant 23 : index
      %get3A_615 = arith.constant 0 : index
      %get3A_616 = vector.load %arg5[%get3A_614, %get3A_615] : memref<64x2048xf32, #tpu.memory_space<vmem>>, vector<1x2048xf32>
      %slice3A = vector.extract_strided_slice %exp3A {offsets = [0, 23], sizes = [1, 1], strides = [1, 1]} : vector<1x64xf32> to vector<1x1xf32>
      %mul3A_617 = vector.broadcast %slice3A : vector<1x1xf32> to vector<1x2048xf32>
      %mul3A_618 = arith.mulf %get3A_616, %mul3A_617 : vector<1x2048xf32>
      %eq3A = vector.broadcast %get3A_287 : i32 to vector<1x2048xi32>
      %eq3A_619 = arith.cmpi eq, %iota3A, %eq3A : vector<1x2048xi32>
      %select_n3A = arith.select %eq3A_619, %mul3A_618, %get3A_613 : vector<1x2048xi1>, vector<1x2048xf32>
      %swap3A_620 = arith.constant 0 : index
      %swap3A_621 = arith.constant 0 : index
      %swap3A_622 = arith.index_cast %sub3A : i32 to index
      %swap3A_623 = arith.constant 0 : index
      %swap3A_624 = vector.load %arg7[%swap3A_620, %swap3A_621, %swap3A_622, %swap3A_623] : memref<1x1x1024x2048xf32, #tpu.memory_space<vmem>>, vector<1x1x1x2048xf32>
      %swap3A_625 = vector.shape_cast %swap3A_624 : vector<1x1x1x2048xf32> to vector<1x2048xf32>
      %swap3A_626 = vector.shape_cast %select_n3A : vector<1x2048xf32> to vector<1x1x1x2048xf32>
      tpu.vector_store %arg7[%swap3A_620, %swap3A_621, %swap3A_622, %swap3A_623], %swap3A_626 {strides = array<i32>} : memref<1x1x1024x2048xf32, #tpu.memory_space<vmem>>, vector<1x1x1x2048xf32>,
    } else {
    }
    %get3A_296 = arith.constant 24 : index
    %get3A_297 = memref.load %arg2[%get3A_296] : memref<50xi32, #tpu.memory_space<smem>>
    %get3A_298 = arith.constant 24 : index
    %get3A_299 = memref.load %arg3[%get3A_298] : memref<50xi32, #tpu.memory_space<smem>>
    %ge3A_300 = arith.cmpi sge, %get3A_297, %mul3A_8 : i32
    %add3A_301 = arith.constant 1024 : i32
    %add3A_302 = arith.addi %mul3A_8, %add3A_301 : i32
    %lt3A_303 = arith.cmpi slt, %get3A_297, %add3A_302 : i32
    %and3A_304 = arith.andi %ge3A_300, %lt3A_303 : i1
    %convert_element_type3A_305 = arith.extui %and3A_304 : i1 to i32
    %cond3A_306 = arith.constant 0 : i32
    %cond3A_307 = arith.cmpi ne, %convert_element_type3A_305, %cond3A_306 : i32
    scf.if %cond3A_307 {
      %sub3A = arith.subi %get3A_297, %mul3A_8 : i32
      %get3A_608 = arith.constant 0 : index
      %get3A_609 = arith.constant 0 : index
      %get3A_610 = arith.index_cast %sub3A : i32 to index
      %get3A_611 = arith.constant 0 : index
      %get3A_612 = vector.load %arg7[%get3A_608, %get3A_609, %get3A_610, %get3A_611] : memref<1x1x1024x2048xf32, #tpu.memory_space<vmem>>, vector<1x1x1x2048xf32>
      %get3A_613 = vector.shape_cast %get3A_612 : vector<1x1x1x2048xf32> to vector<1x2048xf32>
      %get3A_614 = arith.constant 24 : index
      %get3A_615 = arith.constant 0 : index
      %get3A_616 = vector.load %arg5[%get3A_614, %get3A_615] : memref<64x2048xf32, #tpu.memory_space<vmem>>, vector<1x2048xf32>
      %slice3A = vector.extract_strided_slice %exp3A {offsets = [0, 24], sizes = [1, 1], strides = [1, 1]} : vector<1x64xf32> to vector<1x1xf32>
      %mul3A_617 = vector.broadcast %slice3A : vector<1x1xf32> to vector<1x2048xf32>
      %mul3A_618 = arith.mulf %get3A_616, %mul3A_617 : vector<1x2048xf32>
      %eq3A = vector.broadcast %get3A_299 : i32 to vector<1x2048xi32>
      %eq3A_619 = arith.cmpi eq, %iota3A, %eq3A : vector<1x2048xi32>
      %select_n3A = arith.select %eq3A_619, %mul3A_618, %get3A_613 : vector<1x2048xi1>, vector<1x2048xf32>
      %swap3A_620 = arith.constant 0 : index
      %swap3A_621 = arith.constant 0 : index
      %swap3A_622 = arith.index_cast %sub3A : i32 to index
      %swap3A_623 = arith.constant 0 : index
      %swap3A_624 = vector.load %arg7[%swap3A_620, %swap3A_621, %swap3A_622, %swap3A_623] : memref<1x1x1024x2048xf32, #tpu.memory_space<vmem>>, vector<1x1x1x2048xf32>
      %swap3A_625 = vector.shape_cast %swap3A_624 : vector<1x1x1x2048xf32> to vector<1x2048xf32>
      %swap3A_626 = vector.shape_cast %select_n3A : vector<1x2048xf32> to vector<1x1x1x2048xf32>
      tpu.vector_store %arg7[%swap3A_620, %swap3A_621, %swap3A_622, %swap3A_623], %swap3A_626 {strides = array<i32>} : memref<1x1x1024x2048xf32, #tpu.memory_space<vmem>>, vector<1x1x1x2048xf32>,
    } else {
    }
    %get3A_308 = arith.constant 25 : index
    %get3A_309 = memref.load %arg2[%get3A_308] : memref<50xi32, #tpu.memory_space<smem>>
    %get3A_310 = arith.constant 25 : index
    %get3A_311 = memref.load %arg3[%get3A_310] : memref<50xi32, #tpu.memory_space<smem>>
    %ge3A_312 = arith.cmpi sge, %get3A_309, %mul3A_8 : i32
    %add3A_313 = arith.constant 1024 : i32
    %add3A_314 = arith.addi %mul3A_8, %add3A_313 : i32
    %lt3A_315 = arith.cmpi slt, %get3A_309, %add3A_314 : i32
    %and3A_316 = arith.andi %ge3A_312, %lt3A_315 : i1
    %convert_element_type3A_317 = arith.extui %and3A_316 : i1 to i32
    %cond3A_318 = arith.constant 0 : i32
    %cond3A_319 = arith.cmpi ne, %convert_element_type3A_317, %cond3A_318 : i32
    scf.if %cond3A_319 {
      %sub3A = arith.subi %get3A_309, %mul3A_8 : i32
      %get3A_608 = arith.constant 0 : index
      %get3A_609 = arith.constant 0 : index
      %get3A_610 = arith.index_cast %sub3A : i32 to index
      %get3A_611 = arith.constant 0 : index
      %get3A_612 = vector.load %arg7[%get3A_608, %get3A_609, %get3A_610, %get3A_611] : memref<1x1x1024x2048xf32, #tpu.memory_space<vmem>>, vector<1x1x1x2048xf32>
      %get3A_613 = vector.shape_cast %get3A_612 : vector<1x1x1x2048xf32> to vector<1x2048xf32>
      %get3A_614 = arith.constant 25 : index
      %get3A_615 = arith.constant 0 : index
      %get3A_616 = vector.load %arg5[%get3A_614, %get3A_615] : memref<64x2048xf32, #tpu.memory_space<vmem>>, vector<1x2048xf32>
      %slice3A = vector.extract_strided_slice %exp3A {offsets = [0, 25], sizes = [1, 1], strides = [1, 1]} : vector<1x64xf32> to vector<1x1xf32>
      %mul3A_617 = vector.broadcast %slice3A : vector<1x1xf32> to vector<1x2048xf32>
      %mul3A_618 = arith.mulf %get3A_616, %mul3A_617 : vector<1x2048xf32>
      %eq3A = vector.broadcast %get3A_311 : i32 to vector<1x2048xi32>
      %eq3A_619 = arith.cmpi eq, %iota3A, %eq3A : vector<1x2048xi32>
      %select_n3A = arith.select %eq3A_619, %mul3A_618, %get3A_613 : vector<1x2048xi1>, vector<1x2048xf32>
      %swap3A_620 = arith.constant 0 : index
      %swap3A_621 = arith.constant 0 : index
      %swap3A_622 = arith.index_cast %sub3A : i32 to index
      %swap3A_623 = arith.constant 0 : index
      %swap3A_624 = vector.load %arg7[%swap3A_620, %swap3A_621, %swap3A_622, %swap3A_623] : memref<1x1x1024x2048xf32, #tpu.memory_space<vmem>>, vector<1x1x1x2048xf32>
      %swap3A_625 = vector.shape_cast %swap3A_624 : vector<1x1x1x2048xf32> to vector<1x2048xf32>
      %swap3A_626 = vector.shape_cast %select_n3A : vector<1x2048xf32> to vector<1x1x1x2048xf32>
      tpu.vector_store %arg7[%swap3A_620, %swap3A_621, %swap3A_622, %swap3A_623], %swap3A_626 {strides = array<i32>} : memref<1x1x1024x2048xf32, #tpu.memory_space<vmem>>, vector<1x1x1x2048xf32>,
    } else {
    }
    %get3A_320 = arith.constant 26 : index
    %get3A_321 = memref.load %arg2[%get3A_320] : memref<50xi32, #tpu.memory_space<smem>>
    %get3A_322 = arith.constant 26 : index
    %get3A_323 = memref.load %arg3[%get3A_322] : memref<50xi32, #tpu.memory_space<smem>>
    %ge3A_324 = arith.cmpi sge, %get3A_321, %mul3A_8 : i32
    %add3A_325 = arith.constant 1024 : i32
    %add3A_326 = arith.addi %mul3A_8, %add3A_325 : i32
    %lt3A_327 = arith.cmpi slt, %get3A_321, %add3A_326 : i32
    %and3A_328 = arith.andi %ge3A_324, %lt3A_327 : i1
    %convert_element_type3A_329 = arith.extui %and3A_328 : i1 to i32
    %cond3A_330 = arith.constant 0 : i32
    %cond3A_331 = arith.cmpi ne, %convert_element_type3A_329, %cond3A_330 : i32
    scf.if %cond3A_331 {
      %sub3A = arith.subi %get3A_321, %mul3A_8 : i32
      %get3A_608 = arith.constant 0 : index
      %get3A_609 = arith.constant 0 : index
      %get3A_610 = arith.index_cast %sub3A : i32 to index
      %get3A_611 = arith.constant 0 : index
      %get3A_612 = vector.load %arg7[%get3A_608, %get3A_609, %get3A_610, %get3A_611] : memref<1x1x1024x2048xf32, #tpu.memory_space<vmem>>, vector<1x1x1x2048xf32>
      %get3A_613 = vector.shape_cast %get3A_612 : vector<1x1x1x2048xf32> to vector<1x2048xf32>
      %get3A_614 = arith.constant 26 : index
      %get3A_615 = arith.constant 0 : index
      %get3A_616 = vector.load %arg5[%get3A_614, %get3A_615] : memref<64x2048xf32, #tpu.memory_space<vmem>>, vector<1x2048xf32>
      %slice3A = vector.extract_strided_slice %exp3A {offsets = [0, 26], sizes = [1, 1], strides = [1, 1]} : vector<1x64xf32> to vector<1x1xf32>
      %mul3A_617 = vector.broadcast %slice3A : vector<1x1xf32> to vector<1x2048xf32>
      %mul3A_618 = arith.mulf %get3A_616, %mul3A_617 : vector<1x2048xf32>
      %eq3A = vector.broadcast %get3A_323 : i32 to vector<1x2048xi32>
      %eq3A_619 = arith.cmpi eq, %iota3A, %eq3A : vector<1x2048xi32>
      %select_n3A = arith.select %eq3A_619, %mul3A_618, %get3A_613 : vector<1x2048xi1>, vector<1x2048xf32>
      %swap3A_620 = arith.constant 0 : index
      %swap3A_621 = arith.constant 0 : index
      %swap3A_622 = arith.index_cast %sub3A : i32 to index
      %swap3A_623 = arith.constant 0 : index
      %swap3A_624 = vector.load %arg7[%swap3A_620, %swap3A_621, %swap3A_622, %swap3A_623] : memref<1x1x1024x2048xf32, #tpu.memory_space<vmem>>, vector<1x1x1x2048xf32>
      %swap3A_625 = vector.shape_cast %swap3A_624 : vector<1x1x1x2048xf32> to vector<1x2048xf32>
      %swap3A_626 = vector.shape_cast %select_n3A : vector<1x2048xf32> to vector<1x1x1x2048xf32>
      tpu.vector_store %arg7[%swap3A_620, %swap3A_621, %swap3A_622, %swap3A_623], %swap3A_626 {strides = array<i32>} : memref<1x1x1024x2048xf32, #tpu.memory_space<vmem>>, vector<1x1x1x2048xf32>,
    } else {
    }
    %get3A_332 = arith.constant 27 : index
    %get3A_333 = memref.load %arg2[%get3A_332] : memref<50xi32, #tpu.memory_space<smem>>
    %get3A_334 = arith.constant 27 : index
    %get3A_335 = memref.load %arg3[%get3A_334] : memref<50xi32, #tpu.memory_space<smem>>
    %ge3A_336 = arith.cmpi sge, %get3A_333, %mul3A_8 : i32
    %add3A_337 = arith.constant 1024 : i32
    %add3A_338 = arith.addi %mul3A_8, %add3A_337 : i32
    %lt3A_339 = arith.cmpi slt, %get3A_333, %add3A_338 : i32
    %and3A_340 = arith.andi %ge3A_336, %lt3A_339 : i1
    %convert_element_type3A_341 = arith.extui %and3A_340 : i1 to i32
    %cond3A_342 = arith.constant 0 : i32
    %cond3A_343 = arith.cmpi ne, %convert_element_type3A_341, %cond3A_342 : i32
    scf.if %cond3A_343 {
      %sub3A = arith.subi %get3A_333, %mul3A_8 : i32
      %get3A_608 = arith.constant 0 : index
      %get3A_609 = arith.constant 0 : index
      %get3A_610 = arith.index_cast %sub3A : i32 to index
      %get3A_611 = arith.constant 0 : index
      %get3A_612 = vector.load %arg7[%get3A_608, %get3A_609, %get3A_610, %get3A_611] : memref<1x1x1024x2048xf32, #tpu.memory_space<vmem>>, vector<1x1x1x2048xf32>
      %get3A_613 = vector.shape_cast %get3A_612 : vector<1x1x1x2048xf32> to vector<1x2048xf32>
      %get3A_614 = arith.constant 27 : index
      %get3A_615 = arith.constant 0 : index
      %get3A_616 = vector.load %arg5[%get3A_614, %get3A_615] : memref<64x2048xf32, #tpu.memory_space<vmem>>, vector<1x2048xf32>
      %slice3A = vector.extract_strided_slice %exp3A {offsets = [0, 27], sizes = [1, 1], strides = [1, 1]} : vector<1x64xf32> to vector<1x1xf32>
      %mul3A_617 = vector.broadcast %slice3A : vector<1x1xf32> to vector<1x2048xf32>
      %mul3A_618 = arith.mulf %get3A_616, %mul3A_617 : vector<1x2048xf32>
      %eq3A = vector.broadcast %get3A_335 : i32 to vector<1x2048xi32>
      %eq3A_619 = arith.cmpi eq, %iota3A, %eq3A : vector<1x2048xi32>
      %select_n3A = arith.select %eq3A_619, %mul3A_618, %get3A_613 : vector<1x2048xi1>, vector<1x2048xf32>
      %swap3A_620 = arith.constant 0 : index
      %swap3A_621 = arith.constant 0 : index
      %swap3A_622 = arith.index_cast %sub3A : i32 to index
      %swap3A_623 = arith.constant 0 : index
      %swap3A_624 = vector.load %arg7[%swap3A_620, %swap3A_621, %swap3A_622, %swap3A_623] : memref<1x1x1024x2048xf32, #tpu.memory_space<vmem>>, vector<1x1x1x2048xf32>
      %swap3A_625 = vector.shape_cast %swap3A_624 : vector<1x1x1x2048xf32> to vector<1x2048xf32>
      %swap3A_626 = vector.shape_cast %select_n3A : vector<1x2048xf32> to vector<1x1x1x2048xf32>
      tpu.vector_store %arg7[%swap3A_620, %swap3A_621, %swap3A_622, %swap3A_623], %swap3A_626 {strides = array<i32>} : memref<1x1x1024x2048xf32, #tpu.memory_space<vmem>>, vector<1x1x1x2048xf32>,
    } else {
    }
    %get3A_344 = arith.constant 28 : index
    %get3A_345 = memref.load %arg2[%get3A_344] : memref<50xi32, #tpu.memory_space<smem>>
    %get3A_346 = arith.constant 28 : index
    %get3A_347 = memref.load %arg3[%get3A_346] : memref<50xi32, #tpu.memory_space<smem>>
    %ge3A_348 = arith.cmpi sge, %get3A_345, %mul3A_8 : i32
    %add3A_349 = arith.constant 1024 : i32
    %add3A_350 = arith.addi %mul3A_8, %add3A_349 : i32
    %lt3A_351 = arith.cmpi slt, %get3A_345, %add3A_350 : i32
    %and3A_352 = arith.andi %ge3A_348, %lt3A_351 : i1
    %convert_element_type3A_353 = arith.extui %and3A_352 : i1 to i32
    %cond3A_354 = arith.constant 0 : i32
    %cond3A_355 = arith.cmpi ne, %convert_element_type3A_353, %cond3A_354 : i32
    scf.if %cond3A_355 {
      %sub3A = arith.subi %get3A_345, %mul3A_8 : i32
      %get3A_608 = arith.constant 0 : index
      %get3A_609 = arith.constant 0 : index
      %get3A_610 = arith.index_cast %sub3A : i32 to index
      %get3A_611 = arith.constant 0 : index
      %get3A_612 = vector.load %arg7[%get3A_608, %get3A_609, %get3A_610, %get3A_611] : memref<1x1x1024x2048xf32, #tpu.memory_space<vmem>>, vector<1x1x1x2048xf32>
      %get3A_613 = vector.shape_cast %get3A_612 : vector<1x1x1x2048xf32> to vector<1x2048xf32>
      %get3A_614 = arith.constant 28 : index
      %get3A_615 = arith.constant 0 : index
      %get3A_616 = vector.load %arg5[%get3A_614, %get3A_615] : memref<64x2048xf32, #tpu.memory_space<vmem>>, vector<1x2048xf32>
      %slice3A = vector.extract_strided_slice %exp3A {offsets = [0, 28], sizes = [1, 1], strides = [1, 1]} : vector<1x64xf32> to vector<1x1xf32>
      %mul3A_617 = vector.broadcast %slice3A : vector<1x1xf32> to vector<1x2048xf32>
      %mul3A_618 = arith.mulf %get3A_616, %mul3A_617 : vector<1x2048xf32>
      %eq3A = vector.broadcast %get3A_347 : i32 to vector<1x2048xi32>
      %eq3A_619 = arith.cmpi eq, %iota3A, %eq3A : vector<1x2048xi32>
      %select_n3A = arith.select %eq3A_619, %mul3A_618, %get3A_613 : vector<1x2048xi1>, vector<1x2048xf32>
      %swap3A_620 = arith.constant 0 : index
      %swap3A_621 = arith.constant 0 : index
      %swap3A_622 = arith.index_cast %sub3A : i32 to index
      %swap3A_623 = arith.constant 0 : index
      %swap3A_624 = vector.load %arg7[%swap3A_620, %swap3A_621, %swap3A_622, %swap3A_623] : memref<1x1x1024x2048xf32, #tpu.memory_space<vmem>>, vector<1x1x1x2048xf32>
      %swap3A_625 = vector.shape_cast %swap3A_624 : vector<1x1x1x2048xf32> to vector<1x2048xf32>
      %swap3A_626 = vector.shape_cast %select_n3A : vector<1x2048xf32> to vector<1x1x1x2048xf32>
      tpu.vector_store %arg7[%swap3A_620, %swap3A_621, %swap3A_622, %swap3A_623], %swap3A_626 {strides = array<i32>} : memref<1x1x1024x2048xf32, #tpu.memory_space<vmem>>, vector<1x1x1x2048xf32>,
    } else {
    }
    %get3A_356 = arith.constant 29 : index
    %get3A_357 = memref.load %arg2[%get3A_356] : memref<50xi32, #tpu.memory_space<smem>>
    %get3A_358 = arith.constant 29 : index
    %get3A_359 = memref.load %arg3[%get3A_358] : memref<50xi32, #tpu.memory_space<smem>>
    %ge3A_360 = arith.cmpi sge, %get3A_357, %mul3A_8 : i32
    %add3A_361 = arith.constant 1024 : i32
    %add3A_362 = arith.addi %mul3A_8, %add3A_361 : i32
    %lt3A_363 = arith.cmpi slt, %get3A_357, %add3A_362 : i32
    %and3A_364 = arith.andi %ge3A_360, %lt3A_363 : i1
    %convert_element_type3A_365 = arith.extui %and3A_364 : i1 to i32
    %cond3A_366 = arith.constant 0 : i32
    %cond3A_367 = arith.cmpi ne, %convert_element_type3A_365, %cond3A_366 : i32
    scf.if %cond3A_367 {
      %sub3A = arith.subi %get3A_357, %mul3A_8 : i32
      %get3A_608 = arith.constant 0 : index
      %get3A_609 = arith.constant 0 : index
      %get3A_610 = arith.index_cast %sub3A : i32 to index
      %get3A_611 = arith.constant 0 : index
      %get3A_612 = vector.load %arg7[%get3A_608, %get3A_609, %get3A_610, %get3A_611] : memref<1x1x1024x2048xf32, #tpu.memory_space<vmem>>, vector<1x1x1x2048xf32>
      %get3A_613 = vector.shape_cast %get3A_612 : vector<1x1x1x2048xf32> to vector<1x2048xf32>
      %get3A_614 = arith.constant 29 : index
      %get3A_615 = arith.constant 0 : index
      %get3A_616 = vector.load %arg5[%get3A_614, %get3A_615] : memref<64x2048xf32, #tpu.memory_space<vmem>>, vector<1x2048xf32>
      %slice3A = vector.extract_strided_slice %exp3A {offsets = [0, 29], sizes = [1, 1], strides = [1, 1]} : vector<1x64xf32> to vector<1x1xf32>
      %mul3A_617 = vector.broadcast %slice3A : vector<1x1xf32> to vector<1x2048xf32>
      %mul3A_618 = arith.mulf %get3A_616, %mul3A_617 : vector<1x2048xf32>
      %eq3A = vector.broadcast %get3A_359 : i32 to vector<1x2048xi32>
      %eq3A_619 = arith.cmpi eq, %iota3A, %eq3A : vector<1x2048xi32>
      %select_n3A = arith.select %eq3A_619, %mul3A_618, %get3A_613 : vector<1x2048xi1>, vector<1x2048xf32>
      %swap3A_620 = arith.constant 0 : index
      %swap3A_621 = arith.constant 0 : index
      %swap3A_622 = arith.index_cast %sub3A : i32 to index
      %swap3A_623 = arith.constant 0 : index
      %swap3A_624 = vector.load %arg7[%swap3A_620, %swap3A_621, %swap3A_622, %swap3A_623] : memref<1x1x1024x2048xf32, #tpu.memory_space<vmem>>, vector<1x1x1x2048xf32>
      %swap3A_625 = vector.shape_cast %swap3A_624 : vector<1x1x1x2048xf32> to vector<1x2048xf32>
      %swap3A_626 = vector.shape_cast %select_n3A : vector<1x2048xf32> to vector<1x1x1x2048xf32>
      tpu.vector_store %arg7[%swap3A_620, %swap3A_621, %swap3A_622, %swap3A_623], %swap3A_626 {strides = array<i32>} : memref<1x1x1024x2048xf32, #tpu.memory_space<vmem>>, vector<1x1x1x2048xf32>,
    } else {
    }
    %get3A_368 = arith.constant 30 : index
    %get3A_369 = memref.load %arg2[%get3A_368] : memref<50xi32, #tpu.memory_space<smem>>
    %get3A_370 = arith.constant 30 : index
    %get3A_371 = memref.load %arg3[%get3A_370] : memref<50xi32, #tpu.memory_space<smem>>
    %ge3A_372 = arith.cmpi sge, %get3A_369, %mul3A_8 : i32
    %add3A_373 = arith.constant 1024 : i32
    %add3A_374 = arith.addi %mul3A_8, %add3A_373 : i32
    %lt3A_375 = arith.cmpi slt, %get3A_369, %add3A_374 : i32
    %and3A_376 = arith.andi %ge3A_372, %lt3A_375 : i1
    %convert_element_type3A_377 = arith.extui %and3A_376 : i1 to i32
    %cond3A_378 = arith.constant 0 : i32
    %cond3A_379 = arith.cmpi ne, %convert_element_type3A_377, %cond3A_378 : i32
    scf.if %cond3A_379 {
      %sub3A = arith.subi %get3A_369, %mul3A_8 : i32
      %get3A_608 = arith.constant 0 : index
      %get3A_609 = arith.constant 0 : index
      %get3A_610 = arith.index_cast %sub3A : i32 to index
      %get3A_611 = arith.constant 0 : index
      %get3A_612 = vector.load %arg7[%get3A_608, %get3A_609, %get3A_610, %get3A_611] : memref<1x1x1024x2048xf32, #tpu.memory_space<vmem>>, vector<1x1x1x2048xf32>
      %get3A_613 = vector.shape_cast %get3A_612 : vector<1x1x1x2048xf32> to vector<1x2048xf32>
      %get3A_614 = arith.constant 30 : index
      %get3A_615 = arith.constant 0 : index
      %get3A_616 = vector.load %arg5[%get3A_614, %get3A_615] : memref<64x2048xf32, #tpu.memory_space<vmem>>, vector<1x2048xf32>
      %slice3A = vector.extract_strided_slice %exp3A {offsets = [0, 30], sizes = [1, 1], strides = [1, 1]} : vector<1x64xf32> to vector<1x1xf32>
      %mul3A_617 = vector.broadcast %slice3A : vector<1x1xf32> to vector<1x2048xf32>
      %mul3A_618 = arith.mulf %get3A_616, %mul3A_617 : vector<1x2048xf32>
      %eq3A = vector.broadcast %get3A_371 : i32 to vector<1x2048xi32>
      %eq3A_619 = arith.cmpi eq, %iota3A, %eq3A : vector<1x2048xi32>
      %select_n3A = arith.select %eq3A_619, %mul3A_618, %get3A_613 : vector<1x2048xi1>, vector<1x2048xf32>
      %swap3A_620 = arith.constant 0 : index
      %swap3A_621 = arith.constant 0 : index
      %swap3A_622 = arith.index_cast %sub3A : i32 to index
      %swap3A_623 = arith.constant 0 : index
      %swap3A_624 = vector.load %arg7[%swap3A_620, %swap3A_621, %swap3A_622, %swap3A_623] : memref<1x1x1024x2048xf32, #tpu.memory_space<vmem>>, vector<1x1x1x2048xf32>
      %swap3A_625 = vector.shape_cast %swap3A_624 : vector<1x1x1x2048xf32> to vector<1x2048xf32>
      %swap3A_626 = vector.shape_cast %select_n3A : vector<1x2048xf32> to vector<1x1x1x2048xf32>
      tpu.vector_store %arg7[%swap3A_620, %swap3A_621, %swap3A_622, %swap3A_623], %swap3A_626 {strides = array<i32>} : memref<1x1x1024x2048xf32, #tpu.memory_space<vmem>>, vector<1x1x1x2048xf32>,
    } else {
    }
    %get3A_380 = arith.constant 31 : index
    %get3A_381 = memref.load %arg2[%get3A_380] : memref<50xi32, #tpu.memory_space<smem>>
    %get3A_382 = arith.constant 31 : index
    %get3A_383 = memref.load %arg3[%get3A_382] : memref<50xi32, #tpu.memory_space<smem>>
    %ge3A_384 = arith.cmpi sge, %get3A_381, %mul3A_8 : i32
    %add3A_385 = arith.constant 1024 : i32
    %add3A_386 = arith.addi %mul3A_8, %add3A_385 : i32
    %lt3A_387 = arith.cmpi slt, %get3A_381, %add3A_386 : i32
    %and3A_388 = arith.andi %ge3A_384, %lt3A_387 : i1
    %convert_element_type3A_389 = arith.extui %and3A_388 : i1 to i32
    %cond3A_390 = arith.constant 0 : i32
    %cond3A_391 = arith.cmpi ne, %convert_element_type3A_389, %cond3A_390 : i32
    scf.if %cond3A_391 {
      %sub3A = arith.subi %get3A_381, %mul3A_8 : i32
      %get3A_608 = arith.constant 0 : index
      %get3A_609 = arith.constant 0 : index
      %get3A_610 = arith.index_cast %sub3A : i32 to index
      %get3A_611 = arith.constant 0 : index
      %get3A_612 = vector.load %arg7[%get3A_608, %get3A_609, %get3A_610, %get3A_611] : memref<1x1x1024x2048xf32, #tpu.memory_space<vmem>>, vector<1x1x1x2048xf32>
      %get3A_613 = vector.shape_cast %get3A_612 : vector<1x1x1x2048xf32> to vector<1x2048xf32>
      %get3A_614 = arith.constant 31 : index
      %get3A_615 = arith.constant 0 : index
      %get3A_616 = vector.load %arg5[%get3A_614, %get3A_615] : memref<64x2048xf32, #tpu.memory_space<vmem>>, vector<1x2048xf32>
      %slice3A = vector.extract_strided_slice %exp3A {offsets = [0, 31], sizes = [1, 1], strides = [1, 1]} : vector<1x64xf32> to vector<1x1xf32>
      %mul3A_617 = vector.broadcast %slice3A : vector<1x1xf32> to vector<1x2048xf32>
      %mul3A_618 = arith.mulf %get3A_616, %mul3A_617 : vector<1x2048xf32>
      %eq3A = vector.broadcast %get3A_383 : i32 to vector<1x2048xi32>
      %eq3A_619 = arith.cmpi eq, %iota3A, %eq3A : vector<1x2048xi32>
      %select_n3A = arith.select %eq3A_619, %mul3A_618, %get3A_613 : vector<1x2048xi1>, vector<1x2048xf32>
      %swap3A_620 = arith.constant 0 : index
      %swap3A_621 = arith.constant 0 : index
      %swap3A_622 = arith.index_cast %sub3A : i32 to index
      %swap3A_623 = arith.constant 0 : index
      %swap3A_624 = vector.load %arg7[%swap3A_620, %swap3A_621, %swap3A_622, %swap3A_623] : memref<1x1x1024x2048xf32, #tpu.memory_space<vmem>>, vector<1x1x1x2048xf32>
      %swap3A_625 = vector.shape_cast %swap3A_624 : vector<1x1x1x2048xf32> to vector<1x2048xf32>
      %swap3A_626 = vector.shape_cast %select_n3A : vector<1x2048xf32> to vector<1x1x1x2048xf32>
      tpu.vector_store %arg7[%swap3A_620, %swap3A_621, %swap3A_622, %swap3A_623], %swap3A_626 {strides = array<i32>} : memref<1x1x1024x2048xf32, #tpu.memory_space<vmem>>, vector<1x1x1x2048xf32>,
    } else {
    }
    %get3A_392 = arith.constant 32 : index
    %get3A_393 = memref.load %arg2[%get3A_392] : memref<50xi32, #tpu.memory_space<smem>>
    %get3A_394 = arith.constant 32 : index
    %get3A_395 = memref.load %arg3[%get3A_394] : memref<50xi32, #tpu.memory_space<smem>>
    %ge3A_396 = arith.cmpi sge, %get3A_393, %mul3A_8 : i32
    %add3A_397 = arith.constant 1024 : i32
    %add3A_398 = arith.addi %mul3A_8, %add3A_397 : i32
    %lt3A_399 = arith.cmpi slt, %get3A_393, %add3A_398 : i32
    %and3A_400 = arith.andi %ge3A_396, %lt3A_399 : i1
    %convert_element_type3A_401 = arith.extui %and3A_400 : i1 to i32
    %cond3A_402 = arith.constant 0 : i32
    %cond3A_403 = arith.cmpi ne, %convert_element_type3A_401, %cond3A_402 : i32
    scf.if %cond3A_403 {
      %sub3A = arith.subi %get3A_393, %mul3A_8 : i32
      %get3A_608 = arith.constant 0 : index
      %get3A_609 = arith.constant 0 : index
      %get3A_610 = arith.index_cast %sub3A : i32 to index
      %get3A_611 = arith.constant 0 : index
      %get3A_612 = vector.load %arg7[%get3A_608, %get3A_609, %get3A_610, %get3A_611] : memref<1x1x1024x2048xf32, #tpu.memory_space<vmem>>, vector<1x1x1x2048xf32>
      %get3A_613 = vector.shape_cast %get3A_612 : vector<1x1x1x2048xf32> to vector<1x2048xf32>
      %get3A_614 = arith.constant 32 : index
      %get3A_615 = arith.constant 0 : index
      %get3A_616 = vector.load %arg5[%get3A_614, %get3A_615] : memref<64x2048xf32, #tpu.memory_space<vmem>>, vector<1x2048xf32>
      %slice3A = vector.extract_strided_slice %exp3A {offsets = [0, 32], sizes = [1, 1], strides = [1, 1]} : vector<1x64xf32> to vector<1x1xf32>
      %mul3A_617 = vector.broadcast %slice3A : vector<1x1xf32> to vector<1x2048xf32>
      %mul3A_618 = arith.mulf %get3A_616, %mul3A_617 : vector<1x2048xf32>
      %eq3A = vector.broadcast %get3A_395 : i32 to vector<1x2048xi32>
      %eq3A_619 = arith.cmpi eq, %iota3A, %eq3A : vector<1x2048xi32>
      %select_n3A = arith.select %eq3A_619, %mul3A_618, %get3A_613 : vector<1x2048xi1>, vector<1x2048xf32>
      %swap3A_620 = arith.constant 0 : index
      %swap3A_621 = arith.constant 0 : index
      %swap3A_622 = arith.index_cast %sub3A : i32 to index
      %swap3A_623 = arith.constant 0 : index
      %swap3A_624 = vector.load %arg7[%swap3A_620, %swap3A_621, %swap3A_622, %swap3A_623] : memref<1x1x1024x2048xf32, #tpu.memory_space<vmem>>, vector<1x1x1x2048xf32>
      %swap3A_625 = vector.shape_cast %swap3A_624 : vector<1x1x1x2048xf32> to vector<1x2048xf32>
      %swap3A_626 = vector.shape_cast %select_n3A : vector<1x2048xf32> to vector<1x1x1x2048xf32>
      tpu.vector_store %arg7[%swap3A_620, %swap3A_621, %swap3A_622, %swap3A_623], %swap3A_626 {strides = array<i32>} : memref<1x1x1024x2048xf32, #tpu.memory_space<vmem>>, vector<1x1x1x2048xf32>,
    } else {
    }
    %get3A_404 = arith.constant 33 : index
    %get3A_405 = memref.load %arg2[%get3A_404] : memref<50xi32, #tpu.memory_space<smem>>
    %get3A_406 = arith.constant 33 : index
    %get3A_407 = memref.load %arg3[%get3A_406] : memref<50xi32, #tpu.memory_space<smem>>
    %ge3A_408 = arith.cmpi sge, %get3A_405, %mul3A_8 : i32
    %add3A_409 = arith.constant 1024 : i32
    %add3A_410 = arith.addi %mul3A_8, %add3A_409 : i32
    %lt3A_411 = arith.cmpi slt, %get3A_405, %add3A_410 : i32
    %and3A_412 = arith.andi %ge3A_408, %lt3A_411 : i1
    %convert_element_type3A_413 = arith.extui %and3A_412 : i1 to i32
    %cond3A_414 = arith.constant 0 : i32
    %cond3A_415 = arith.cmpi ne, %convert_element_type3A_413, %cond3A_414 : i32
    scf.if %cond3A_415 {
      %sub3A = arith.subi %get3A_405, %mul3A_8 : i32
      %get3A_608 = arith.constant 0 : index
      %get3A_609 = arith.constant 0 : index
      %get3A_610 = arith.index_cast %sub3A : i32 to index
      %get3A_611 = arith.constant 0 : index
      %get3A_612 = vector.load %arg7[%get3A_608, %get3A_609, %get3A_610, %get3A_611] : memref<1x1x1024x2048xf32, #tpu.memory_space<vmem>>, vector<1x1x1x2048xf32>
      %get3A_613 = vector.shape_cast %get3A_612 : vector<1x1x1x2048xf32> to vector<1x2048xf32>
      %get3A_614 = arith.constant 33 : index
      %get3A_615 = arith.constant 0 : index
      %get3A_616 = vector.load %arg5[%get3A_614, %get3A_615] : memref<64x2048xf32, #tpu.memory_space<vmem>>, vector<1x2048xf32>
      %slice3A = vector.extract_strided_slice %exp3A {offsets = [0, 33], sizes = [1, 1], strides = [1, 1]} : vector<1x64xf32> to vector<1x1xf32>
      %mul3A_617 = vector.broadcast %slice3A : vector<1x1xf32> to vector<1x2048xf32>
      %mul3A_618 = arith.mulf %get3A_616, %mul3A_617 : vector<1x2048xf32>
      %eq3A = vector.broadcast %get3A_407 : i32 to vector<1x2048xi32>
      %eq3A_619 = arith.cmpi eq, %iota3A, %eq3A : vector<1x2048xi32>
      %select_n3A = arith.select %eq3A_619, %mul3A_618, %get3A_613 : vector<1x2048xi1>, vector<1x2048xf32>
      %swap3A_620 = arith.constant 0 : index
      %swap3A_621 = arith.constant 0 : index
      %swap3A_622 = arith.index_cast %sub3A : i32 to index
      %swap3A_623 = arith.constant 0 : index
      %swap3A_624 = vector.load %arg7[%swap3A_620, %swap3A_621, %swap3A_622, %swap3A_623] : memref<1x1x1024x2048xf32, #tpu.memory_space<vmem>>, vector<1x1x1x2048xf32>
      %swap3A_625 = vector.shape_cast %swap3A_624 : vector<1x1x1x2048xf32> to vector<1x2048xf32>
      %swap3A_626 = vector.shape_cast %select_n3A : vector<1x2048xf32> to vector<1x1x1x2048xf32>
      tpu.vector_store %arg7[%swap3A_620, %swap3A_621, %swap3A_622, %swap3A_623], %swap3A_626 {strides = array<i32>} : memref<1x1x1024x2048xf32, #tpu.memory_space<vmem>>, vector<1x1x1x2048xf32>,
    } else {
    }
    %get3A_416 = arith.constant 34 : index
    %get3A_417 = memref.load %arg2[%get3A_416] : memref<50xi32, #tpu.memory_space<smem>>
    %get3A_418 = arith.constant 34 : index
    %get3A_419 = memref.load %arg3[%get3A_418] : memref<50xi32, #tpu.memory_space<smem>>
    %ge3A_420 = arith.cmpi sge, %get3A_417, %mul3A_8 : i32
    %add3A_421 = arith.constant 1024 : i32
    %add3A_422 = arith.addi %mul3A_8, %add3A_421 : i32
    %lt3A_423 = arith.cmpi slt, %get3A_417, %add3A_422 : i32
    %and3A_424 = arith.andi %ge3A_420, %lt3A_423 : i1
    %convert_element_type3A_425 = arith.extui %and3A_424 : i1 to i32
    %cond3A_426 = arith.constant 0 : i32
    %cond3A_427 = arith.cmpi ne, %convert_element_type3A_425, %cond3A_426 : i32
    scf.if %cond3A_427 {
      %sub3A = arith.subi %get3A_417, %mul3A_8 : i32
      %get3A_608 = arith.constant 0 : index
      %get3A_609 = arith.constant 0 : index
      %get3A_610 = arith.index_cast %sub3A : i32 to index
      %get3A_611 = arith.constant 0 : index
      %get3A_612 = vector.load %arg7[%get3A_608, %get3A_609, %get3A_610, %get3A_611] : memref<1x1x1024x2048xf32, #tpu.memory_space<vmem>>, vector<1x1x1x2048xf32>
      %get3A_613 = vector.shape_cast %get3A_612 : vector<1x1x1x2048xf32> to vector<1x2048xf32>
      %get3A_614 = arith.constant 34 : index
      %get3A_615 = arith.constant 0 : index
      %get3A_616 = vector.load %arg5[%get3A_614, %get3A_615] : memref<64x2048xf32, #tpu.memory_space<vmem>>, vector<1x2048xf32>
      %slice3A = vector.extract_strided_slice %exp3A {offsets = [0, 34], sizes = [1, 1], strides = [1, 1]} : vector<1x64xf32> to vector<1x1xf32>
      %mul3A_617 = vector.broadcast %slice3A : vector<1x1xf32> to vector<1x2048xf32>
      %mul3A_618 = arith.mulf %get3A_616, %mul3A_617 : vector<1x2048xf32>
      %eq3A = vector.broadcast %get3A_419 : i32 to vector<1x2048xi32>
      %eq3A_619 = arith.cmpi eq, %iota3A, %eq3A : vector<1x2048xi32>
      %select_n3A = arith.select %eq3A_619, %mul3A_618, %get3A_613 : vector<1x2048xi1>, vector<1x2048xf32>
      %swap3A_620 = arith.constant 0 : index
      %swap3A_621 = arith.constant 0 : index
      %swap3A_622 = arith.index_cast %sub3A : i32 to index
      %swap3A_623 = arith.constant 0 : index
      %swap3A_624 = vector.load %arg7[%swap3A_620, %swap3A_621, %swap3A_622, %swap3A_623] : memref<1x1x1024x2048xf32, #tpu.memory_space<vmem>>, vector<1x1x1x2048xf32>
      %swap3A_625 = vector.shape_cast %swap3A_624 : vector<1x1x1x2048xf32> to vector<1x2048xf32>
      %swap3A_626 = vector.shape_cast %select_n3A : vector<1x2048xf32> to vector<1x1x1x2048xf32>
      tpu.vector_store %arg7[%swap3A_620, %swap3A_621, %swap3A_622, %swap3A_623], %swap3A_626 {strides = array<i32>} : memref<1x1x1024x2048xf32, #tpu.memory_space<vmem>>, vector<1x1x1x2048xf32>,
    } else {
    }
    %get3A_428 = arith.constant 35 : index
    %get3A_429 = memref.load %arg2[%get3A_428] : memref<50xi32, #tpu.memory_space<smem>>
    %get3A_430 = arith.constant 35 : index
    %get3A_431 = memref.load %arg3[%get3A_430] : memref<50xi32, #tpu.memory_space<smem>>
    %ge3A_432 = arith.cmpi sge, %get3A_429, %mul3A_8 : i32
    %add3A_433 = arith.constant 1024 : i32
    %add3A_434 = arith.addi %mul3A_8, %add3A_433 : i32
    %lt3A_435 = arith.cmpi slt, %get3A_429, %add3A_434 : i32
    %and3A_436 = arith.andi %ge3A_432, %lt3A_435 : i1
    %convert_element_type3A_437 = arith.extui %and3A_436 : i1 to i32
    %cond3A_438 = arith.constant 0 : i32
    %cond3A_439 = arith.cmpi ne, %convert_element_type3A_437, %cond3A_438 : i32
    scf.if %cond3A_439 {
      %sub3A = arith.subi %get3A_429, %mul3A_8 : i32
      %get3A_608 = arith.constant 0 : index
      %get3A_609 = arith.constant 0 : index
      %get3A_610 = arith.index_cast %sub3A : i32 to index
      %get3A_611 = arith.constant 0 : index
      %get3A_612 = vector.load %arg7[%get3A_608, %get3A_609, %get3A_610, %get3A_611] : memref<1x1x1024x2048xf32, #tpu.memory_space<vmem>>, vector<1x1x1x2048xf32>
      %get3A_613 = vector.shape_cast %get3A_612 : vector<1x1x1x2048xf32> to vector<1x2048xf32>
      %get3A_614 = arith.constant 35 : index
      %get3A_615 = arith.constant 0 : index
      %get3A_616 = vector.load %arg5[%get3A_614, %get3A_615] : memref<64x2048xf32, #tpu.memory_space<vmem>>, vector<1x2048xf32>
      %slice3A = vector.extract_strided_slice %exp3A {offsets = [0, 35], sizes = [1, 1], strides = [1, 1]} : vector<1x64xf32> to vector<1x1xf32>
      %mul3A_617 = vector.broadcast %slice3A : vector<1x1xf32> to vector<1x2048xf32>
      %mul3A_618 = arith.mulf %get3A_616, %mul3A_617 : vector<1x2048xf32>
      %eq3A = vector.broadcast %get3A_431 : i32 to vector<1x2048xi32>
      %eq3A_619 = arith.cmpi eq, %iota3A, %eq3A : vector<1x2048xi32>
      %select_n3A = arith.select %eq3A_619, %mul3A_618, %get3A_613 : vector<1x2048xi1>, vector<1x2048xf32>
      %swap3A_620 = arith.constant 0 : index
      %swap3A_621 = arith.constant 0 : index
      %swap3A_622 = arith.index_cast %sub3A : i32 to index
      %swap3A_623 = arith.constant 0 : index
      %swap3A_624 = vector.load %arg7[%swap3A_620, %swap3A_621, %swap3A_622, %swap3A_623] : memref<1x1x1024x2048xf32, #tpu.memory_space<vmem>>, vector<1x1x1x2048xf32>
      %swap3A_625 = vector.shape_cast %swap3A_624 : vector<1x1x1x2048xf32> to vector<1x2048xf32>
      %swap3A_626 = vector.shape_cast %select_n3A : vector<1x2048xf32> to vector<1x1x1x2048xf32>
      tpu.vector_store %arg7[%swap3A_620, %swap3A_621, %swap3A_622, %swap3A_623], %swap3A_626 {strides = array<i32>} : memref<1x1x1024x2048xf32, #tpu.memory_space<vmem>>, vector<1x1x1x2048xf32>,
    } else {
    }
    %get3A_440 = arith.constant 36 : index
    %get3A_441 = memref.load %arg2[%get3A_440] : memref<50xi32, #tpu.memory_space<smem>>
    %get3A_442 = arith.constant 36 : index
    %get3A_443 = memref.load %arg3[%get3A_442] : memref<50xi32, #tpu.memory_space<smem>>
    %ge3A_444 = arith.cmpi sge, %get3A_441, %mul3A_8 : i32
    %add3A_445 = arith.constant 1024 : i32
    %add3A_446 = arith.addi %mul3A_8, %add3A_445 : i32
    %lt3A_447 = arith.cmpi slt, %get3A_441, %add3A_446 : i32
    %and3A_448 = arith.andi %ge3A_444, %lt3A_447 : i1
    %convert_element_type3A_449 = arith.extui %and3A_448 : i1 to i32
    %cond3A_450 = arith.constant 0 : i32
    %cond3A_451 = arith.cmpi ne, %convert_element_type3A_449, %cond3A_450 : i32
    scf.if %cond3A_451 {
      %sub3A = arith.subi %get3A_441, %mul3A_8 : i32
      %get3A_608 = arith.constant 0 : index
      %get3A_609 = arith.constant 0 : index
      %get3A_610 = arith.index_cast %sub3A : i32 to index
      %get3A_611 = arith.constant 0 : index
      %get3A_612 = vector.load %arg7[%get3A_608, %get3A_609, %get3A_610, %get3A_611] : memref<1x1x1024x2048xf32, #tpu.memory_space<vmem>>, vector<1x1x1x2048xf32>
      %get3A_613 = vector.shape_cast %get3A_612 : vector<1x1x1x2048xf32> to vector<1x2048xf32>
      %get3A_614 = arith.constant 36 : index
      %get3A_615 = arith.constant 0 : index
      %get3A_616 = vector.load %arg5[%get3A_614, %get3A_615] : memref<64x2048xf32, #tpu.memory_space<vmem>>, vector<1x2048xf32>
      %slice3A = vector.extract_strided_slice %exp3A {offsets = [0, 36], sizes = [1, 1], strides = [1, 1]} : vector<1x64xf32> to vector<1x1xf32>
      %mul3A_617 = vector.broadcast %slice3A : vector<1x1xf32> to vector<1x2048xf32>
      %mul3A_618 = arith.mulf %get3A_616, %mul3A_617 : vector<1x2048xf32>
      %eq3A = vector.broadcast %get3A_443 : i32 to vector<1x2048xi32>
      %eq3A_619 = arith.cmpi eq, %iota3A, %eq3A : vector<1x2048xi32>
      %select_n3A = arith.select %eq3A_619, %mul3A_618, %get3A_613 : vector<1x2048xi1>, vector<1x2048xf32>
      %swap3A_620 = arith.constant 0 : index
      %swap3A_621 = arith.constant 0 : index
      %swap3A_622 = arith.index_cast %sub3A : i32 to index
      %swap3A_623 = arith.constant 0 : index
      %swap3A_624 = vector.load %arg7[%swap3A_620, %swap3A_621, %swap3A_622, %swap3A_623] : memref<1x1x1024x2048xf32, #tpu.memory_space<vmem>>, vector<1x1x1x2048xf32>
      %swap3A_625 = vector.shape_cast %swap3A_624 : vector<1x1x1x2048xf32> to vector<1x2048xf32>
      %swap3A_626 = vector.shape_cast %select_n3A : vector<1x2048xf32> to vector<1x1x1x2048xf32>
      tpu.vector_store %arg7[%swap3A_620, %swap3A_621, %swap3A_622, %swap3A_623], %swap3A_626 {strides = array<i32>} : memref<1x1x1024x2048xf32, #tpu.memory_space<vmem>>, vector<1x1x1x2048xf32>,
    } else {
    }
    %get3A_452 = arith.constant 37 : index
    %get3A_453 = memref.load %arg2[%get3A_452] : memref<50xi32, #tpu.memory_space<smem>>
    %get3A_454 = arith.constant 37 : index
    %get3A_455 = memref.load %arg3[%get3A_454] : memref<50xi32, #tpu.memory_space<smem>>
    %ge3A_456 = arith.cmpi sge, %get3A_453, %mul3A_8 : i32
    %add3A_457 = arith.constant 1024 : i32
    %add3A_458 = arith.addi %mul3A_8, %add3A_457 : i32
    %lt3A_459 = arith.cmpi slt, %get3A_453, %add3A_458 : i32
    %and3A_460 = arith.andi %ge3A_456, %lt3A_459 : i1
    %convert_element_type3A_461 = arith.extui %and3A_460 : i1 to i32
    %cond3A_462 = arith.constant 0 : i32
    %cond3A_463 = arith.cmpi ne, %convert_element_type3A_461, %cond3A_462 : i32
    scf.if %cond3A_463 {
      %sub3A = arith.subi %get3A_453, %mul3A_8 : i32
      %get3A_608 = arith.constant 0 : index
      %get3A_609 = arith.constant 0 : index
      %get3A_610 = arith.index_cast %sub3A : i32 to index
      %get3A_611 = arith.constant 0 : index
      %get3A_612 = vector.load %arg7[%get3A_608, %get3A_609, %get3A_610, %get3A_611] : memref<1x1x1024x2048xf32, #tpu.memory_space<vmem>>, vector<1x1x1x2048xf32>
      %get3A_613 = vector.shape_cast %get3A_612 : vector<1x1x1x2048xf32> to vector<1x2048xf32>
      %get3A_614 = arith.constant 37 : index
      %get3A_615 = arith.constant 0 : index
      %get3A_616 = vector.load %arg5[%get3A_614, %get3A_615] : memref<64x2048xf32, #tpu.memory_space<vmem>>, vector<1x2048xf32>
      %slice3A = vector.extract_strided_slice %exp3A {offsets = [0, 37], sizes = [1, 1], strides = [1, 1]} : vector<1x64xf32> to vector<1x1xf32>
      %mul3A_617 = vector.broadcast %slice3A : vector<1x1xf32> to vector<1x2048xf32>
      %mul3A_618 = arith.mulf %get3A_616, %mul3A_617 : vector<1x2048xf32>
      %eq3A = vector.broadcast %get3A_455 : i32 to vector<1x2048xi32>
      %eq3A_619 = arith.cmpi eq, %iota3A, %eq3A : vector<1x2048xi32>
      %select_n3A = arith.select %eq3A_619, %mul3A_618, %get3A_613 : vector<1x2048xi1>, vector<1x2048xf32>
      %swap3A_620 = arith.constant 0 : index
      %swap3A_621 = arith.constant 0 : index
      %swap3A_622 = arith.index_cast %sub3A : i32 to index
      %swap3A_623 = arith.constant 0 : index
      %swap3A_624 = vector.load %arg7[%swap3A_620, %swap3A_621, %swap3A_622, %swap3A_623] : memref<1x1x1024x2048xf32, #tpu.memory_space<vmem>>, vector<1x1x1x2048xf32>
      %swap3A_625 = vector.shape_cast %swap3A_624 : vector<1x1x1x2048xf32> to vector<1x2048xf32>
      %swap3A_626 = vector.shape_cast %select_n3A : vector<1x2048xf32> to vector<1x1x1x2048xf32>
      tpu.vector_store %arg7[%swap3A_620, %swap3A_621, %swap3A_622, %swap3A_623], %swap3A_626 {strides = array<i32>} : memref<1x1x1024x2048xf32, #tpu.memory_space<vmem>>, vector<1x1x1x2048xf32>,
    } else {
    }
    %get3A_464 = arith.constant 38 : index
    %get3A_465 = memref.load %arg2[%get3A_464] : memref<50xi32, #tpu.memory_space<smem>>
    %get3A_466 = arith.constant 38 : index
    %get3A_467 = memref.load %arg3[%get3A_466] : memref<50xi32, #tpu.memory_space<smem>>
    %ge3A_468 = arith.cmpi sge, %get3A_465, %mul3A_8 : i32
    %add3A_469 = arith.constant 1024 : i32
    %add3A_470 = arith.addi %mul3A_8, %add3A_469 : i32
    %lt3A_471 = arith.cmpi slt, %get3A_465, %add3A_470 : i32
    %and3A_472 = arith.andi %ge3A_468, %lt3A_471 : i1
    %convert_element_type3A_473 = arith.extui %and3A_472 : i1 to i32
    %cond3A_474 = arith.constant 0 : i32
    %cond3A_475 = arith.cmpi ne, %convert_element_type3A_473, %cond3A_474 : i32
    scf.if %cond3A_475 {
      %sub3A = arith.subi %get3A_465, %mul3A_8 : i32
      %get3A_608 = arith.constant 0 : index
      %get3A_609 = arith.constant 0 : index
      %get3A_610 = arith.index_cast %sub3A : i32 to index
      %get3A_611 = arith.constant 0 : index
      %get3A_612 = vector.load %arg7[%get3A_608, %get3A_609, %get3A_610, %get3A_611] : memref<1x1x1024x2048xf32, #tpu.memory_space<vmem>>, vector<1x1x1x2048xf32>
      %get3A_613 = vector.shape_cast %get3A_612 : vector<1x1x1x2048xf32> to vector<1x2048xf32>
      %get3A_614 = arith.constant 38 : index
      %get3A_615 = arith.constant 0 : index
      %get3A_616 = vector.load %arg5[%get3A_614, %get3A_615] : memref<64x2048xf32, #tpu.memory_space<vmem>>, vector<1x2048xf32>
      %slice3A = vector.extract_strided_slice %exp3A {offsets = [0, 38], sizes = [1, 1], strides = [1, 1]} : vector<1x64xf32> to vector<1x1xf32>
      %mul3A_617 = vector.broadcast %slice3A : vector<1x1xf32> to vector<1x2048xf32>
      %mul3A_618 = arith.mulf %get3A_616, %mul3A_617 : vector<1x2048xf32>
      %eq3A = vector.broadcast %get3A_467 : i32 to vector<1x2048xi32>
      %eq3A_619 = arith.cmpi eq, %iota3A, %eq3A : vector<1x2048xi32>
      %select_n3A = arith.select %eq3A_619, %mul3A_618, %get3A_613 : vector<1x2048xi1>, vector<1x2048xf32>
      %swap3A_620 = arith.constant 0 : index
      %swap3A_621 = arith.constant 0 : index
      %swap3A_622 = arith.index_cast %sub3A : i32 to index
      %swap3A_623 = arith.constant 0 : index
      %swap3A_624 = vector.load %arg7[%swap3A_620, %swap3A_621, %swap3A_622, %swap3A_623] : memref<1x1x1024x2048xf32, #tpu.memory_space<vmem>>, vector<1x1x1x2048xf32>
      %swap3A_625 = vector.shape_cast %swap3A_624 : vector<1x1x1x2048xf32> to vector<1x2048xf32>
      %swap3A_626 = vector.shape_cast %select_n3A : vector<1x2048xf32> to vector<1x1x1x2048xf32>
      tpu.vector_store %arg7[%swap3A_620, %swap3A_621, %swap3A_622, %swap3A_623], %swap3A_626 {strides = array<i32>} : memref<1x1x1024x2048xf32, #tpu.memory_space<vmem>>, vector<1x1x1x2048xf32>,
    } else {
    }
    %get3A_476 = arith.constant 39 : index
    %get3A_477 = memref.load %arg2[%get3A_476] : memref<50xi32, #tpu.memory_space<smem>>
    %get3A_478 = arith.constant 39 : index
    %get3A_479 = memref.load %arg3[%get3A_478] : memref<50xi32, #tpu.memory_space<smem>>
    %ge3A_480 = arith.cmpi sge, %get3A_477, %mul3A_8 : i32
    %add3A_481 = arith.constant 1024 : i32
    %add3A_482 = arith.addi %mul3A_8, %add3A_481 : i32
    %lt3A_483 = arith.cmpi slt, %get3A_477, %add3A_482 : i32
    %and3A_484 = arith.andi %ge3A_480, %lt3A_483 : i1
    %convert_element_type3A_485 = arith.extui %and3A_484 : i1 to i32
    %cond3A_486 = arith.constant 0 : i32
    %cond3A_487 = arith.cmpi ne, %convert_element_type3A_485, %cond3A_486 : i32
    scf.if %cond3A_487 {
      %sub3A = arith.subi %get3A_477, %mul3A_8 : i32
      %get3A_608 = arith.constant 0 : index
      %get3A_609 = arith.constant 0 : index
      %get3A_610 = arith.index_cast %sub3A : i32 to index
      %get3A_611 = arith.constant 0 : index
      %get3A_612 = vector.load %arg7[%get3A_608, %get3A_609, %get3A_610, %get3A_611] : memref<1x1x1024x2048xf32, #tpu.memory_space<vmem>>, vector<1x1x1x2048xf32>
      %get3A_613 = vector.shape_cast %get3A_612 : vector<1x1x1x2048xf32> to vector<1x2048xf32>
      %get3A_614 = arith.constant 39 : index
      %get3A_615 = arith.constant 0 : index
      %get3A_616 = vector.load %arg5[%get3A_614, %get3A_615] : memref<64x2048xf32, #tpu.memory_space<vmem>>, vector<1x2048xf32>
      %slice3A = vector.extract_strided_slice %exp3A {offsets = [0, 39], sizes = [1, 1], strides = [1, 1]} : vector<1x64xf32> to vector<1x1xf32>
      %mul3A_617 = vector.broadcast %slice3A : vector<1x1xf32> to vector<1x2048xf32>
      %mul3A_618 = arith.mulf %get3A_616, %mul3A_617 : vector<1x2048xf32>
      %eq3A = vector.broadcast %get3A_479 : i32 to vector<1x2048xi32>
      %eq3A_619 = arith.cmpi eq, %iota3A, %eq3A : vector<1x2048xi32>
      %select_n3A = arith.select %eq3A_619, %mul3A_618, %get3A_613 : vector<1x2048xi1>, vector<1x2048xf32>
      %swap3A_620 = arith.constant 0 : index
      %swap3A_621 = arith.constant 0 : index
      %swap3A_622 = arith.index_cast %sub3A : i32 to index
      %swap3A_623 = arith.constant 0 : index
      %swap3A_624 = vector.load %arg7[%swap3A_620, %swap3A_621, %swap3A_622, %swap3A_623] : memref<1x1x1024x2048xf32, #tpu.memory_space<vmem>>, vector<1x1x1x2048xf32>
      %swap3A_625 = vector.shape_cast %swap3A_624 : vector<1x1x1x2048xf32> to vector<1x2048xf32>
      %swap3A_626 = vector.shape_cast %select_n3A : vector<1x2048xf32> to vector<1x1x1x2048xf32>
      tpu.vector_store %arg7[%swap3A_620, %swap3A_621, %swap3A_622, %swap3A_623], %swap3A_626 {strides = array<i32>} : memref<1x1x1024x2048xf32, #tpu.memory_space<vmem>>, vector<1x1x1x2048xf32>,
    } else {
    }
    %get3A_488 = arith.constant 40 : index
    %get3A_489 = memref.load %arg2[%get3A_488] : memref<50xi32, #tpu.memory_space<smem>>
    %get3A_490 = arith.constant 40 : index
    %get3A_491 = memref.load %arg3[%get3A_490] : memref<50xi32, #tpu.memory_space<smem>>
    %ge3A_492 = arith.cmpi sge, %get3A_489, %mul3A_8 : i32
    %add3A_493 = arith.constant 1024 : i32
    %add3A_494 = arith.addi %mul3A_8, %add3A_493 : i32
    %lt3A_495 = arith.cmpi slt, %get3A_489, %add3A_494 : i32
    %and3A_496 = arith.andi %ge3A_492, %lt3A_495 : i1
    %convert_element_type3A_497 = arith.extui %and3A_496 : i1 to i32
    %cond3A_498 = arith.constant 0 : i32
    %cond3A_499 = arith.cmpi ne, %convert_element_type3A_497, %cond3A_498 : i32
    scf.if %cond3A_499 {
      %sub3A = arith.subi %get3A_489, %mul3A_8 : i32
      %get3A_608 = arith.constant 0 : index
      %get3A_609 = arith.constant 0 : index
      %get3A_610 = arith.index_cast %sub3A : i32 to index
      %get3A_611 = arith.constant 0 : index
      %get3A_612 = vector.load %arg7[%get3A_608, %get3A_609, %get3A_610, %get3A_611] : memref<1x1x1024x2048xf32, #tpu.memory_space<vmem>>, vector<1x1x1x2048xf32>
      %get3A_613 = vector.shape_cast %get3A_612 : vector<1x1x1x2048xf32> to vector<1x2048xf32>
      %get3A_614 = arith.constant 40 : index
      %get3A_615 = arith.constant 0 : index
      %get3A_616 = vector.load %arg5[%get3A_614, %get3A_615] : memref<64x2048xf32, #tpu.memory_space<vmem>>, vector<1x2048xf32>
      %slice3A = vector.extract_strided_slice %exp3A {offsets = [0, 40], sizes = [1, 1], strides = [1, 1]} : vector<1x64xf32> to vector<1x1xf32>
      %mul3A_617 = vector.broadcast %slice3A : vector<1x1xf32> to vector<1x2048xf32>
      %mul3A_618 = arith.mulf %get3A_616, %mul3A_617 : vector<1x2048xf32>
      %eq3A = vector.broadcast %get3A_491 : i32 to vector<1x2048xi32>
      %eq3A_619 = arith.cmpi eq, %iota3A, %eq3A : vector<1x2048xi32>
      %select_n3A = arith.select %eq3A_619, %mul3A_618, %get3A_613 : vector<1x2048xi1>, vector<1x2048xf32>
      %swap3A_620 = arith.constant 0 : index
      %swap3A_621 = arith.constant 0 : index
      %swap3A_622 = arith.index_cast %sub3A : i32 to index
      %swap3A_623 = arith.constant 0 : index
      %swap3A_624 = vector.load %arg7[%swap3A_620, %swap3A_621, %swap3A_622, %swap3A_623] : memref<1x1x1024x2048xf32, #tpu.memory_space<vmem>>, vector<1x1x1x2048xf32>
      %swap3A_625 = vector.shape_cast %swap3A_624 : vector<1x1x1x2048xf32> to vector<1x2048xf32>
      %swap3A_626 = vector.shape_cast %select_n3A : vector<1x2048xf32> to vector<1x1x1x2048xf32>
      tpu.vector_store %arg7[%swap3A_620, %swap3A_621, %swap3A_622, %swap3A_623], %swap3A_626 {strides = array<i32>} : memref<1x1x1024x2048xf32, #tpu.memory_space<vmem>>, vector<1x1x1x2048xf32>,
    } else {
    }
    %get3A_500 = arith.constant 41 : index
    %get3A_501 = memref.load %arg2[%get3A_500] : memref<50xi32, #tpu.memory_space<smem>>
    %get3A_502 = arith.constant 41 : index
    %get3A_503 = memref.load %arg3[%get3A_502] : memref<50xi32, #tpu.memory_space<smem>>
    %ge3A_504 = arith.cmpi sge, %get3A_501, %mul3A_8 : i32
    %add3A_505 = arith.constant 1024 : i32
    %add3A_506 = arith.addi %mul3A_8, %add3A_505 : i32
    %lt3A_507 = arith.cmpi slt, %get3A_501, %add3A_506 : i32
    %and3A_508 = arith.andi %ge3A_504, %lt3A_507 : i1
    %convert_element_type3A_509 = arith.extui %and3A_508 : i1 to i32
    %cond3A_510 = arith.constant 0 : i32
    %cond3A_511 = arith.cmpi ne, %convert_element_type3A_509, %cond3A_510 : i32
    scf.if %cond3A_511 {
      %sub3A = arith.subi %get3A_501, %mul3A_8 : i32
      %get3A_608 = arith.constant 0 : index
      %get3A_609 = arith.constant 0 : index
      %get3A_610 = arith.index_cast %sub3A : i32 to index
      %get3A_611 = arith.constant 0 : index
      %get3A_612 = vector.load %arg7[%get3A_608, %get3A_609, %get3A_610, %get3A_611] : memref<1x1x1024x2048xf32, #tpu.memory_space<vmem>>, vector<1x1x1x2048xf32>
      %get3A_613 = vector.shape_cast %get3A_612 : vector<1x1x1x2048xf32> to vector<1x2048xf32>
      %get3A_614 = arith.constant 41 : index
      %get3A_615 = arith.constant 0 : index
      %get3A_616 = vector.load %arg5[%get3A_614, %get3A_615] : memref<64x2048xf32, #tpu.memory_space<vmem>>, vector<1x2048xf32>
      %slice3A = vector.extract_strided_slice %exp3A {offsets = [0, 41], sizes = [1, 1], strides = [1, 1]} : vector<1x64xf32> to vector<1x1xf32>
      %mul3A_617 = vector.broadcast %slice3A : vector<1x1xf32> to vector<1x2048xf32>
      %mul3A_618 = arith.mulf %get3A_616, %mul3A_617 : vector<1x2048xf32>
      %eq3A = vector.broadcast %get3A_503 : i32 to vector<1x2048xi32>
      %eq3A_619 = arith.cmpi eq, %iota3A, %eq3A : vector<1x2048xi32>
      %select_n3A = arith.select %eq3A_619, %mul3A_618, %get3A_613 : vector<1x2048xi1>, vector<1x2048xf32>
      %swap3A_620 = arith.constant 0 : index
      %swap3A_621 = arith.constant 0 : index
      %swap3A_622 = arith.index_cast %sub3A : i32 to index
      %swap3A_623 = arith.constant 0 : index
      %swap3A_624 = vector.load %arg7[%swap3A_620, %swap3A_621, %swap3A_622, %swap3A_623] : memref<1x1x1024x2048xf32, #tpu.memory_space<vmem>>, vector<1x1x1x2048xf32>
      %swap3A_625 = vector.shape_cast %swap3A_624 : vector<1x1x1x2048xf32> to vector<1x2048xf32>
      %swap3A_626 = vector.shape_cast %select_n3A : vector<1x2048xf32> to vector<1x1x1x2048xf32>
      tpu.vector_store %arg7[%swap3A_620, %swap3A_621, %swap3A_622, %swap3A_623], %swap3A_626 {strides = array<i32>} : memref<1x1x1024x2048xf32, #tpu.memory_space<vmem>>, vector<1x1x1x2048xf32>,
    } else {
    }
    %get3A_512 = arith.constant 42 : index
    %get3A_513 = memref.load %arg2[%get3A_512] : memref<50xi32, #tpu.memory_space<smem>>
    %get3A_514 = arith.constant 42 : index
    %get3A_515 = memref.load %arg3[%get3A_514] : memref<50xi32, #tpu.memory_space<smem>>
    %ge3A_516 = arith.cmpi sge, %get3A_513, %mul3A_8 : i32
    %add3A_517 = arith.constant 1024 : i32
    %add3A_518 = arith.addi %mul3A_8, %add3A_517 : i32
    %lt3A_519 = arith.cmpi slt, %get3A_513, %add3A_518 : i32
    %and3A_520 = arith.andi %ge3A_516, %lt3A_519 : i1
    %convert_element_type3A_521 = arith.extui %and3A_520 : i1 to i32
    %cond3A_522 = arith.constant 0 : i32
    %cond3A_523 = arith.cmpi ne, %convert_element_type3A_521, %cond3A_522 : i32
    scf.if %cond3A_523 {
      %sub3A = arith.subi %get3A_513, %mul3A_8 : i32
      %get3A_608 = arith.constant 0 : index
      %get3A_609 = arith.constant 0 : index
      %get3A_610 = arith.index_cast %sub3A : i32 to index
      %get3A_611 = arith.constant 0 : index
      %get3A_612 = vector.load %arg7[%get3A_608, %get3A_609, %get3A_610, %get3A_611] : memref<1x1x1024x2048xf32, #tpu.memory_space<vmem>>, vector<1x1x1x2048xf32>
      %get3A_613 = vector.shape_cast %get3A_612 : vector<1x1x1x2048xf32> to vector<1x2048xf32>
      %get3A_614 = arith.constant 42 : index
      %get3A_615 = arith.constant 0 : index
      %get3A_616 = vector.load %arg5[%get3A_614, %get3A_615] : memref<64x2048xf32, #tpu.memory_space<vmem>>, vector<1x2048xf32>
      %slice3A = vector.extract_strided_slice %exp3A {offsets = [0, 42], sizes = [1, 1], strides = [1, 1]} : vector<1x64xf32> to vector<1x1xf32>
      %mul3A_617 = vector.broadcast %slice3A : vector<1x1xf32> to vector<1x2048xf32>
      %mul3A_618 = arith.mulf %get3A_616, %mul3A_617 : vector<1x2048xf32>
      %eq3A = vector.broadcast %get3A_515 : i32 to vector<1x2048xi32>
      %eq3A_619 = arith.cmpi eq, %iota3A, %eq3A : vector<1x2048xi32>
      %select_n3A = arith.select %eq3A_619, %mul3A_618, %get3A_613 : vector<1x2048xi1>, vector<1x2048xf32>
      %swap3A_620 = arith.constant 0 : index
      %swap3A_621 = arith.constant 0 : index
      %swap3A_622 = arith.index_cast %sub3A : i32 to index
      %swap3A_623 = arith.constant 0 : index
      %swap3A_624 = vector.load %arg7[%swap3A_620, %swap3A_621, %swap3A_622, %swap3A_623] : memref<1x1x1024x2048xf32, #tpu.memory_space<vmem>>, vector<1x1x1x2048xf32>
      %swap3A_625 = vector.shape_cast %swap3A_624 : vector<1x1x1x2048xf32> to vector<1x2048xf32>
      %swap3A_626 = vector.shape_cast %select_n3A : vector<1x2048xf32> to vector<1x1x1x2048xf32>
      tpu.vector_store %arg7[%swap3A_620, %swap3A_621, %swap3A_622, %swap3A_623], %swap3A_626 {strides = array<i32>} : memref<1x1x1024x2048xf32, #tpu.memory_space<vmem>>, vector<1x1x1x2048xf32>,
    } else {
    }
    %get3A_524 = arith.constant 43 : index
    %get3A_525 = memref.load %arg2[%get3A_524] : memref<50xi32, #tpu.memory_space<smem>>
    %get3A_526 = arith.constant 43 : index
    %get3A_527 = memref.load %arg3[%get3A_526] : memref<50xi32, #tpu.memory_space<smem>>
    %ge3A_528 = arith.cmpi sge, %get3A_525, %mul3A_8 : i32
    %add3A_529 = arith.constant 1024 : i32
    %add3A_530 = arith.addi %mul3A_8, %add3A_529 : i32
    %lt3A_531 = arith.cmpi slt, %get3A_525, %add3A_530 : i32
    %and3A_532 = arith.andi %ge3A_528, %lt3A_531 : i1
    %convert_element_type3A_533 = arith.extui %and3A_532 : i1 to i32
    %cond3A_534 = arith.constant 0 : i32
    %cond3A_535 = arith.cmpi ne, %convert_element_type3A_533, %cond3A_534 : i32
    scf.if %cond3A_535 {
      %sub3A = arith.subi %get3A_525, %mul3A_8 : i32
      %get3A_608 = arith.constant 0 : index
      %get3A_609 = arith.constant 0 : index
      %get3A_610 = arith.index_cast %sub3A : i32 to index
      %get3A_611 = arith.constant 0 : index
      %get3A_612 = vector.load %arg7[%get3A_608, %get3A_609, %get3A_610, %get3A_611] : memref<1x1x1024x2048xf32, #tpu.memory_space<vmem>>, vector<1x1x1x2048xf32>
      %get3A_613 = vector.shape_cast %get3A_612 : vector<1x1x1x2048xf32> to vector<1x2048xf32>
      %get3A_614 = arith.constant 43 : index
      %get3A_615 = arith.constant 0 : index
      %get3A_616 = vector.load %arg5[%get3A_614, %get3A_615] : memref<64x2048xf32, #tpu.memory_space<vmem>>, vector<1x2048xf32>
      %slice3A = vector.extract_strided_slice %exp3A {offsets = [0, 43], sizes = [1, 1], strides = [1, 1]} : vector<1x64xf32> to vector<1x1xf32>
      %mul3A_617 = vector.broadcast %slice3A : vector<1x1xf32> to vector<1x2048xf32>
      %mul3A_618 = arith.mulf %get3A_616, %mul3A_617 : vector<1x2048xf32>
      %eq3A = vector.broadcast %get3A_527 : i32 to vector<1x2048xi32>
      %eq3A_619 = arith.cmpi eq, %iota3A, %eq3A : vector<1x2048xi32>
      %select_n3A = arith.select %eq3A_619, %mul3A_618, %get3A_613 : vector<1x2048xi1>, vector<1x2048xf32>
      %swap3A_620 = arith.constant 0 : index
      %swap3A_621 = arith.constant 0 : index
      %swap3A_622 = arith.index_cast %sub3A : i32 to index
      %swap3A_623 = arith.constant 0 : index
      %swap3A_624 = vector.load %arg7[%swap3A_620, %swap3A_621, %swap3A_622, %swap3A_623] : memref<1x1x1024x2048xf32, #tpu.memory_space<vmem>>, vector<1x1x1x2048xf32>
      %swap3A_625 = vector.shape_cast %swap3A_624 : vector<1x1x1x2048xf32> to vector<1x2048xf32>
      %swap3A_626 = vector.shape_cast %select_n3A : vector<1x2048xf32> to vector<1x1x1x2048xf32>
      tpu.vector_store %arg7[%swap3A_620, %swap3A_621, %swap3A_622, %swap3A_623], %swap3A_626 {strides = array<i32>} : memref<1x1x1024x2048xf32, #tpu.memory_space<vmem>>, vector<1x1x1x2048xf32>,
    } else {
    }
    %get3A_536 = arith.constant 44 : index
    %get3A_537 = memref.load %arg2[%get3A_536] : memref<50xi32, #tpu.memory_space<smem>>
    %get3A_538 = arith.constant 44 : index
    %get3A_539 = memref.load %arg3[%get3A_538] : memref<50xi32, #tpu.memory_space<smem>>
    %ge3A_540 = arith.cmpi sge, %get3A_537, %mul3A_8 : i32
    %add3A_541 = arith.constant 1024 : i32
    %add3A_542 = arith.addi %mul3A_8, %add3A_541 : i32
    %lt3A_543 = arith.cmpi slt, %get3A_537, %add3A_542 : i32
    %and3A_544 = arith.andi %ge3A_540, %lt3A_543 : i1
    %convert_element_type3A_545 = arith.extui %and3A_544 : i1 to i32
    %cond3A_546 = arith.constant 0 : i32
    %cond3A_547 = arith.cmpi ne, %convert_element_type3A_545, %cond3A_546 : i32
    scf.if %cond3A_547 {
      %sub3A = arith.subi %get3A_537, %mul3A_8 : i32
      %get3A_608 = arith.constant 0 : index
      %get3A_609 = arith.constant 0 : index
      %get3A_610 = arith.index_cast %sub3A : i32 to index
      %get3A_611 = arith.constant 0 : index
      %get3A_612 = vector.load %arg7[%get3A_608, %get3A_609, %get3A_610, %get3A_611] : memref<1x1x1024x2048xf32, #tpu.memory_space<vmem>>, vector<1x1x1x2048xf32>
      %get3A_613 = vector.shape_cast %get3A_612 : vector<1x1x1x2048xf32> to vector<1x2048xf32>
      %get3A_614 = arith.constant 44 : index
      %get3A_615 = arith.constant 0 : index
      %get3A_616 = vector.load %arg5[%get3A_614, %get3A_615] : memref<64x2048xf32, #tpu.memory_space<vmem>>, vector<1x2048xf32>
      %slice3A = vector.extract_strided_slice %exp3A {offsets = [0, 44], sizes = [1, 1], strides = [1, 1]} : vector<1x64xf32> to vector<1x1xf32>
      %mul3A_617 = vector.broadcast %slice3A : vector<1x1xf32> to vector<1x2048xf32>
      %mul3A_618 = arith.mulf %get3A_616, %mul3A_617 : vector<1x2048xf32>
      %eq3A = vector.broadcast %get3A_539 : i32 to vector<1x2048xi32>
      %eq3A_619 = arith.cmpi eq, %iota3A, %eq3A : vector<1x2048xi32>
      %select_n3A = arith.select %eq3A_619, %mul3A_618, %get3A_613 : vector<1x2048xi1>, vector<1x2048xf32>
      %swap3A_620 = arith.constant 0 : index
      %swap3A_621 = arith.constant 0 : index
      %swap3A_622 = arith.index_cast %sub3A : i32 to index
      %swap3A_623 = arith.constant 0 : index
      %swap3A_624 = vector.load %arg7[%swap3A_620, %swap3A_621, %swap3A_622, %swap3A_623] : memref<1x1x1024x2048xf32, #tpu.memory_space<vmem>>, vector<1x1x1x2048xf32>
      %swap3A_625 = vector.shape_cast %swap3A_624 : vector<1x1x1x2048xf32> to vector<1x2048xf32>
      %swap3A_626 = vector.shape_cast %select_n3A : vector<1x2048xf32> to vector<1x1x1x2048xf32>
      tpu.vector_store %arg7[%swap3A_620, %swap3A_621, %swap3A_622, %swap3A_623], %swap3A_626 {strides = array<i32>} : memref<1x1x1024x2048xf32, #tpu.memory_space<vmem>>, vector<1x1x1x2048xf32>,
    } else {
    }
    %get3A_548 = arith.constant 45 : index
    %get3A_549 = memref.load %arg2[%get3A_548] : memref<50xi32, #tpu.memory_space<smem>>
    %get3A_550 = arith.constant 45 : index
    %get3A_551 = memref.load %arg3[%get3A_550] : memref<50xi32, #tpu.memory_space<smem>>
    %ge3A_552 = arith.cmpi sge, %get3A_549, %mul3A_8 : i32
    %add3A_553 = arith.constant 1024 : i32
    %add3A_554 = arith.addi %mul3A_8, %add3A_553 : i32
    %lt3A_555 = arith.cmpi slt, %get3A_549, %add3A_554 : i32
    %and3A_556 = arith.andi %ge3A_552, %lt3A_555 : i1
    %convert_element_type3A_557 = arith.extui %and3A_556 : i1 to i32
    %cond3A_558 = arith.constant 0 : i32
    %cond3A_559 = arith.cmpi ne, %convert_element_type3A_557, %cond3A_558 : i32
    scf.if %cond3A_559 {
      %sub3A = arith.subi %get3A_549, %mul3A_8 : i32
      %get3A_608 = arith.constant 0 : index
      %get3A_609 = arith.constant 0 : index
      %get3A_610 = arith.index_cast %sub3A : i32 to index
      %get3A_611 = arith.constant 0 : index
      %get3A_612 = vector.load %arg7[%get3A_608, %get3A_609, %get3A_610, %get3A_611] : memref<1x1x1024x2048xf32, #tpu.memory_space<vmem>>, vector<1x1x1x2048xf32>
      %get3A_613 = vector.shape_cast %get3A_612 : vector<1x1x1x2048xf32> to vector<1x2048xf32>
      %get3A_614 = arith.constant 45 : index
      %get3A_615 = arith.constant 0 : index
      %get3A_616 = vector.load %arg5[%get3A_614, %get3A_615] : memref<64x2048xf32, #tpu.memory_space<vmem>>, vector<1x2048xf32>
      %slice3A = vector.extract_strided_slice %exp3A {offsets = [0, 45], sizes = [1, 1], strides = [1, 1]} : vector<1x64xf32> to vector<1x1xf32>
      %mul3A_617 = vector.broadcast %slice3A : vector<1x1xf32> to vector<1x2048xf32>
      %mul3A_618 = arith.mulf %get3A_616, %mul3A_617 : vector<1x2048xf32>
      %eq3A = vector.broadcast %get3A_551 : i32 to vector<1x2048xi32>
      %eq3A_619 = arith.cmpi eq, %iota3A, %eq3A : vector<1x2048xi32>
      %select_n3A = arith.select %eq3A_619, %mul3A_618, %get3A_613 : vector<1x2048xi1>, vector<1x2048xf32>
      %swap3A_620 = arith.constant 0 : index
      %swap3A_621 = arith.constant 0 : index
      %swap3A_622 = arith.index_cast %sub3A : i32 to index
      %swap3A_623 = arith.constant 0 : index
      %swap3A_624 = vector.load %arg7[%swap3A_620, %swap3A_621, %swap3A_622, %swap3A_623] : memref<1x1x1024x2048xf32, #tpu.memory_space<vmem>>, vector<1x1x1x2048xf32>
      %swap3A_625 = vector.shape_cast %swap3A_624 : vector<1x1x1x2048xf32> to vector<1x2048xf32>
      %swap3A_626 = vector.shape_cast %select_n3A : vector<1x2048xf32> to vector<1x1x1x2048xf32>
      tpu.vector_store %arg7[%swap3A_620, %swap3A_621, %swap3A_622, %swap3A_623], %swap3A_626 {strides = array<i32>} : memref<1x1x1024x2048xf32, #tpu.memory_space<vmem>>, vector<1x1x1x2048xf32>,
    } else {
    }
    %get3A_560 = arith.constant 46 : index
    %get3A_561 = memref.load %arg2[%get3A_560] : memref<50xi32, #tpu.memory_space<smem>>
    %get3A_562 = arith.constant 46 : index
    %get3A_563 = memref.load %arg3[%get3A_562] : memref<50xi32, #tpu.memory_space<smem>>
    %ge3A_564 = arith.cmpi sge, %get3A_561, %mul3A_8 : i32
    %add3A_565 = arith.constant 1024 : i32
    %add3A_566 = arith.addi %mul3A_8, %add3A_565 : i32
    %lt3A_567 = arith.cmpi slt, %get3A_561, %add3A_566 : i32
    %and3A_568 = arith.andi %ge3A_564, %lt3A_567 : i1
    %convert_element_type3A_569 = arith.extui %and3A_568 : i1 to i32
    %cond3A_570 = arith.constant 0 : i32
    %cond3A_571 = arith.cmpi ne, %convert_element_type3A_569, %cond3A_570 : i32
    scf.if %cond3A_571 {
      %sub3A = arith.subi %get3A_561, %mul3A_8 : i32
      %get3A_608 = arith.constant 0 : index
      %get3A_609 = arith.constant 0 : index
      %get3A_610 = arith.index_cast %sub3A : i32 to index
      %get3A_611 = arith.constant 0 : index
      %get3A_612 = vector.load %arg7[%get3A_608, %get3A_609, %get3A_610, %get3A_611] : memref<1x1x1024x2048xf32, #tpu.memory_space<vmem>>, vector<1x1x1x2048xf32>
      %get3A_613 = vector.shape_cast %get3A_612 : vector<1x1x1x2048xf32> to vector<1x2048xf32>
      %get3A_614 = arith.constant 46 : index
      %get3A_615 = arith.constant 0 : index
      %get3A_616 = vector.load %arg5[%get3A_614, %get3A_615] : memref<64x2048xf32, #tpu.memory_space<vmem>>, vector<1x2048xf32>
      %slice3A = vector.extract_strided_slice %exp3A {offsets = [0, 46], sizes = [1, 1], strides = [1, 1]} : vector<1x64xf32> to vector<1x1xf32>
      %mul3A_617 = vector.broadcast %slice3A : vector<1x1xf32> to vector<1x2048xf32>
      %mul3A_618 = arith.mulf %get3A_616, %mul3A_617 : vector<1x2048xf32>
      %eq3A = vector.broadcast %get3A_563 : i32 to vector<1x2048xi32>
      %eq3A_619 = arith.cmpi eq, %iota3A, %eq3A : vector<1x2048xi32>
      %select_n3A = arith.select %eq3A_619, %mul3A_618, %get3A_613 : vector<1x2048xi1>, vector<1x2048xf32>
      %swap3A_620 = arith.constant 0 : index
      %swap3A_621 = arith.constant 0 : index
      %swap3A_622 = arith.index_cast %sub3A : i32 to index
      %swap3A_623 = arith.constant 0 : index
      %swap3A_624 = vector.load %arg7[%swap3A_620, %swap3A_621, %swap3A_622, %swap3A_623] : memref<1x1x1024x2048xf32, #tpu.memory_space<vmem>>, vector<1x1x1x2048xf32>
      %swap3A_625 = vector.shape_cast %swap3A_624 : vector<1x1x1x2048xf32> to vector<1x2048xf32>
      %swap3A_626 = vector.shape_cast %select_n3A : vector<1x2048xf32> to vector<1x1x1x2048xf32>
      tpu.vector_store %arg7[%swap3A_620, %swap3A_621, %swap3A_622, %swap3A_623], %swap3A_626 {strides = array<i32>} : memref<1x1x1024x2048xf32, #tpu.memory_space<vmem>>, vector<1x1x1x2048xf32>,
    } else {
    }
    %get3A_572 = arith.constant 47 : index
    %get3A_573 = memref.load %arg2[%get3A_572] : memref<50xi32, #tpu.memory_space<smem>>
    %get3A_574 = arith.constant 47 : index
    %get3A_575 = memref.load %arg3[%get3A_574] : memref<50xi32, #tpu.memory_space<smem>>
    %ge3A_576 = arith.cmpi sge, %get3A_573, %mul3A_8 : i32
    %add3A_577 = arith.constant 1024 : i32
    %add3A_578 = arith.addi %mul3A_8, %add3A_577 : i32
    %lt3A_579 = arith.cmpi slt, %get3A_573, %add3A_578 : i32
    %and3A_580 = arith.andi %ge3A_576, %lt3A_579 : i1
    %convert_element_type3A_581 = arith.extui %and3A_580 : i1 to i32
    %cond3A_582 = arith.constant 0 : i32
    %cond3A_583 = arith.cmpi ne, %convert_element_type3A_581, %cond3A_582 : i32
    scf.if %cond3A_583 {
      %sub3A = arith.subi %get3A_573, %mul3A_8 : i32
      %get3A_608 = arith.constant 0 : index
      %get3A_609 = arith.constant 0 : index
      %get3A_610 = arith.index_cast %sub3A : i32 to index
      %get3A_611 = arith.constant 0 : index
      %get3A_612 = vector.load %arg7[%get3A_608, %get3A_609, %get3A_610, %get3A_611] : memref<1x1x1024x2048xf32, #tpu.memory_space<vmem>>, vector<1x1x1x2048xf32>
      %get3A_613 = vector.shape_cast %get3A_612 : vector<1x1x1x2048xf32> to vector<1x2048xf32>
      %get3A_614 = arith.constant 47 : index
      %get3A_615 = arith.constant 0 : index
      %get3A_616 = vector.load %arg5[%get3A_614, %get3A_615] : memref<64x2048xf32, #tpu.memory_space<vmem>>, vector<1x2048xf32>
      %slice3A = vector.extract_strided_slice %exp3A {offsets = [0, 47], sizes = [1, 1], strides = [1, 1]} : vector<1x64xf32> to vector<1x1xf32>
      %mul3A_617 = vector.broadcast %slice3A : vector<1x1xf32> to vector<1x2048xf32>
      %mul3A_618 = arith.mulf %get3A_616, %mul3A_617 : vector<1x2048xf32>
      %eq3A = vector.broadcast %get3A_575 : i32 to vector<1x2048xi32>
      %eq3A_619 = arith.cmpi eq, %iota3A, %eq3A : vector<1x2048xi32>
      %select_n3A = arith.select %eq3A_619, %mul3A_618, %get3A_613 : vector<1x2048xi1>, vector<1x2048xf32>
      %swap3A_620 = arith.constant 0 : index
      %swap3A_621 = arith.constant 0 : index
      %swap3A_622 = arith.index_cast %sub3A : i32 to index
      %swap3A_623 = arith.constant 0 : index
      %swap3A_624 = vector.load %arg7[%swap3A_620, %swap3A_621, %swap3A_622, %swap3A_623] : memref<1x1x1024x2048xf32, #tpu.memory_space<vmem>>, vector<1x1x1x2048xf32>
      %swap3A_625 = vector.shape_cast %swap3A_624 : vector<1x1x1x2048xf32> to vector<1x2048xf32>
      %swap3A_626 = vector.shape_cast %select_n3A : vector<1x2048xf32> to vector<1x1x1x2048xf32>
      tpu.vector_store %arg7[%swap3A_620, %swap3A_621, %swap3A_622, %swap3A_623], %swap3A_626 {strides = array<i32>} : memref<1x1x1024x2048xf32, #tpu.memory_space<vmem>>, vector<1x1x1x2048xf32>,
    } else {
    }
    %get3A_584 = arith.constant 48 : index
    %get3A_585 = memref.load %arg2[%get3A_584] : memref<50xi32, #tpu.memory_space<smem>>
    %get3A_586 = arith.constant 48 : index
    %get3A_587 = memref.load %arg3[%get3A_586] : memref<50xi32, #tpu.memory_space<smem>>
    %ge3A_588 = arith.cmpi sge, %get3A_585, %mul3A_8 : i32
    %add3A_589 = arith.constant 1024 : i32
    %add3A_590 = arith.addi %mul3A_8, %add3A_589 : i32
    %lt3A_591 = arith.cmpi slt, %get3A_585, %add3A_590 : i32
    %and3A_592 = arith.andi %ge3A_588, %lt3A_591 : i1
    %convert_element_type3A_593 = arith.extui %and3A_592 : i1 to i32
    %cond3A_594 = arith.constant 0 : i32
    %cond3A_595 = arith.cmpi ne, %convert_element_type3A_593, %cond3A_594 : i32
    scf.if %cond3A_595 {
      %sub3A = arith.subi %get3A_585, %mul3A_8 : i32
      %get3A_608 = arith.constant 0 : index
      %get3A_609 = arith.constant 0 : index
      %get3A_610 = arith.index_cast %sub3A : i32 to index
      %get3A_611 = arith.constant 0 : index
      %get3A_612 = vector.load %arg7[%get3A_608, %get3A_609, %get3A_610, %get3A_611] : memref<1x1x1024x2048xf32, #tpu.memory_space<vmem>>, vector<1x1x1x2048xf32>
      %get3A_613 = vector.shape_cast %get3A_612 : vector<1x1x1x2048xf32> to vector<1x2048xf32>
      %get3A_614 = arith.constant 48 : index
      %get3A_615 = arith.constant 0 : index
      %get3A_616 = vector.load %arg5[%get3A_614, %get3A_615] : memref<64x2048xf32, #tpu.memory_space<vmem>>, vector<1x2048xf32>
      %slice3A = vector.extract_strided_slice %exp3A {offsets = [0, 48], sizes = [1, 1], strides = [1, 1]} : vector<1x64xf32> to vector<1x1xf32>
      %mul3A_617 = vector.broadcast %slice3A : vector<1x1xf32> to vector<1x2048xf32>
      %mul3A_618 = arith.mulf %get3A_616, %mul3A_617 : vector<1x2048xf32>
      %eq3A = vector.broadcast %get3A_587 : i32 to vector<1x2048xi32>
      %eq3A_619 = arith.cmpi eq, %iota3A, %eq3A : vector<1x2048xi32>
      %select_n3A = arith.select %eq3A_619, %mul3A_618, %get3A_613 : vector<1x2048xi1>, vector<1x2048xf32>
      %swap3A_620 = arith.constant 0 : index
      %swap3A_621 = arith.constant 0 : index
      %swap3A_622 = arith.index_cast %sub3A : i32 to index
      %swap3A_623 = arith.constant 0 : index
      %swap3A_624 = vector.load %arg7[%swap3A_620, %swap3A_621, %swap3A_622, %swap3A_623] : memref<1x1x1024x2048xf32, #tpu.memory_space<vmem>>, vector<1x1x1x2048xf32>
      %swap3A_625 = vector.shape_cast %swap3A_624 : vector<1x1x1x2048xf32> to vector<1x2048xf32>
      %swap3A_626 = vector.shape_cast %select_n3A : vector<1x2048xf32> to vector<1x1x1x2048xf32>
      tpu.vector_store %arg7[%swap3A_620, %swap3A_621, %swap3A_622, %swap3A_623], %swap3A_626 {strides = array<i32>} : memref<1x1x1024x2048xf32, #tpu.memory_space<vmem>>, vector<1x1x1x2048xf32>,
    } else {
    }
    %get3A_596 = arith.constant 49 : index
    %get3A_597 = memref.load %arg2[%get3A_596] : memref<50xi32, #tpu.memory_space<smem>>
    %get3A_598 = arith.constant 49 : index
    %get3A_599 = memref.load %arg3[%get3A_598] : memref<50xi32, #tpu.memory_space<smem>>
    %ge3A_600 = arith.cmpi sge, %get3A_597, %mul3A_8 : i32
    %add3A_601 = arith.constant 1024 : i32
    %add3A_602 = arith.addi %mul3A_8, %add3A_601 : i32
    %lt3A_603 = arith.cmpi slt, %get3A_597, %add3A_602 : i32
    %and3A_604 = arith.andi %ge3A_600, %lt3A_603 : i1
    %convert_element_type3A_605 = arith.extui %and3A_604 : i1 to i32
    %cond3A_606 = arith.constant 0 : i32
    %cond3A_607 = arith.cmpi ne, %convert_element_type3A_605, %cond3A_606 : i32
    scf.if %cond3A_607 {
      %sub3A = arith.subi %get3A_597, %mul3A_8 : i32
      %get3A_608 = arith.constant 0 : index
      %get3A_609 = arith.constant 0 : index
      %get3A_610 = arith.index_cast %sub3A : i32 to index
      %get3A_611 = arith.constant 0 : index
      %get3A_612 = vector.load %arg7[%get3A_608, %get3A_609, %get3A_610, %get3A_611] : memref<1x1x1024x2048xf32, #tpu.memory_space<vmem>>, vector<1x1x1x2048xf32>
      %get3A_613 = vector.shape_cast %get3A_612 : vector<1x1x1x2048xf32> to vector<1x2048xf32>
      %get3A_614 = arith.constant 49 : index
      %get3A_615 = arith.constant 0 : index
      %get3A_616 = vector.load %arg5[%get3A_614, %get3A_615] : memref<64x2048xf32, #tpu.memory_space<vmem>>, vector<1x2048xf32>
      %slice3A = vector.extract_strided_slice %exp3A {offsets = [0, 49], sizes = [1, 1], strides = [1, 1]} : vector<1x64xf32> to vector<1x1xf32>
      %mul3A_617 = vector.broadcast %slice3A : vector<1x1xf32> to vector<1x2048xf32>
      %mul3A_618 = arith.mulf %get3A_616, %mul3A_617 : vector<1x2048xf32>
      %eq3A = vector.broadcast %get3A_599 : i32 to vector<1x2048xi32>
      %eq3A_619 = arith.cmpi eq, %iota3A, %eq3A : vector<1x2048xi32>
      %select_n3A = arith.select %eq3A_619, %mul3A_618, %get3A_613 : vector<1x2048xi1>, vector<1x2048xf32>
      %swap3A_620 = arith.constant 0 : index
      %swap3A_621 = arith.constant 0 : index
      %swap3A_622 = arith.index_cast %sub3A : i32 to index
      %swap3A_623 = arith.constant 0 : index
      %swap3A_624 = vector.load %arg7[%swap3A_620, %swap3A_621, %swap3A_622, %swap3A_623] : memref<1x1x1024x2048xf32, #tpu.memory_space<vmem>>, vector<1x1x1x2048xf32>
      %swap3A_625 = vector.shape_cast %swap3A_624 : vector<1x1x1x2048xf32> to vector<1x2048xf32>
      %swap3A_626 = vector.shape_cast %select_n3A : vector<1x2048xf32> to vector<1x1x1x2048xf32>
      tpu.vector_store %arg7[%swap3A_620, %swap3A_621, %swap3A_622, %swap3A_623], %swap3A_626 {strides = array<i32>} : memref<1x1x1024x2048xf32, #tpu.memory_space<vmem>>, vector<1x1x1x2048xf32>,
    } else {
    }
    return
  }
  func.func @transform_0(%arg0: i32, %arg1: i32, %arg2: memref<50xi32, #tpu.memory_space<smem>>, %arg3: memref<50xi32, #tpu.memory_space<smem>>) -> (i32, i32, i32, i32) {
    %c0_i32 = arith.constant 0 : i32
    %c0_i32_0 = arith.constant 0 : i32
    %c0_i32_1 = arith.constant 0 : i32
    return %c0_i32, %arg0, %arg1, %c0_i32_0 : i32, i32, i32, i32
  }
  func.func @transform_1(%arg0: i32, %arg1: i32, %arg2: memref<50xi32, #tpu.memory_space<smem>>, %arg3: memref<50xi32, #tpu.memory_space<smem>>) -> (i32, i32) {
    %c0_i32 = arith.constant 0 : i32
    %c0_i32_0 = arith.constant 0 : i32
    return %arg0, %c0_i32 : i32, i32
  }
  func.func @transform_2(%arg0: i32, %arg1: i32, %arg2: memref<50xi32, #tpu.memory_space<smem>>, %arg3: memref<50xi32, #tpu.memory_space<smem>>) -> (i32, i32, i32) {
    %c0_i32 = arith.constant 0 : i32
    %c0_i32_0 = arith.constant 0 : i32
    %c0_i32_1 = arith.constant 0 : i32
    return %arg0, %c0_i32, %c0_i32_0 : i32, i32, i32
  }
  func.func @transform_3(%arg0: i32, %arg1: i32, %arg2: memref<50xi32, #tpu.memory_space<smem>>, %arg3: memref<50xi32, #tpu.memory_space<smem>>) -> (i32, i32, i32, i32) {
    %c0_i32 = arith.constant 0 : i32
    %c0_i32_0 = arith.constant 0 : i32
    %c0_i32_1 = arith.constant 0 : i32
    return %c0_i32, %arg0, %arg1, %c0_i32_0 : i32, i32, i32, i32
  }
}

</mosaic_0001>

<sc_bundles>
// kernel: kernel.4.cloned.1.call-start
scs
__scs_entry_jumppad:
0x0: {  	(pc) =	sbr.rel $0x88, $3  }
0x1: {  	(tag) =	ssettag $0x0;
	lr =	simm.s32 $0x1  }
0x2: {  	[smem:$0x3F9D] =	sst lr;
	_ =	strace $0xD0000000  }
0x3: {  	_ = 	snop  }
0x4: {  	_ = 	snop  }
0x5: {  	_ = 	snop  }
0x6: {  	_ = 	snop  }
0x7: {  	_ = 	snop  }
__scs_overlays_trampoline_lowered:
0x8: {  	[smem:$0x3FAC] =	sst s0  }
0x9: {  	[smem:$0x3FAD] =	sst s1  }
0xa: {  	[smem:$0x3FAE] =	sst s2  }
0xb: {  	[smem:$0x3FAF] =	sst s3  }
0xc: {  	[smem:$0x3FB0] =	sst s4  }
0xd: {  	[smem:$0x3FB1] =	sst s5  }
0xe: {  	[smem:$0x3FB2] =	sst s6  }
0xf: {  	[smem:$0x3FB3] =	sst s7  }
0x10: {  	[smem:$0x3FB4] =	sst s8  }
0x11: {  	[smem:$0x3FB5] =	sst s9;
	s0 =	simm.s32 @!p0 $0x0  }
0x12: {  	s1 =	sld [smem:$0x3F9B];
	s0 =	simm.s32 @p0 $0x1  }
0x13: {  	[smem:$0x3FB6] =	sst s0;
	s0 =	simm.s32 @!p1 $0x0  }
0x14: {  	s2 =	sld [smem:$0x3F9A];
	s0 =	simm.s32 @p1 $0x1  }
0x15: {  	[smem:$0x3FB7] =	sst s0;
	s0 =	simm.s32 @!p2 $0x0  }
0x16: {  	s3 =	sld [smem:$0x3FDB];
	s0 =	simm.s32 @p2 $0x1  }
0x17: {  	s4 =	simm.s32 $0x1BF5;
	[smem:$0x3FB9] =	sst s0  }
0x18: {  	s0 =	sld [smem:$0x3F9C];
	_ =	swait.ge [sflag:s4], $0x0  }
0x19: {  	s7 =	sld [smem:$0x3F9D]  }
0x1a: {  	s8 =	sadd.s32 $0xFFFFE003, lr  }
0x1b: {  	s9 =	sadd.s32 $0xFFFFFEF7, lr;
	s5 =	simm.s32 $0xFFFFFFFF;
	p2 =	slt.u32 s8, $0xFFFFF086  }
0x1c: {  	p1 =	slt.u32 s9, $0xF7A;
	s5 =	simm.s32 @!p2 $0x0  }
0x1d: {  	s5 =	simm.s32 @p1 $0x1;
	p0 =	seq.s32 s7, s2  }
0x1e: {  	s7 =	smul.u32 @!p0 $0xF7A, s2;
	p2 =	seq.s32 @!p0 s5, $0x0  }
0x1f: {  	s9 =	smul.u32 $0xF7A, s1;
	s8 =	simm.s32 @!p0 $0x1BF5;
	p2 =	por !p2, p0  }
0x20: {  	[sflag:s8] =	ssyncset.s32 @!p0 $0xFFFFF086;
	s6 =	sadd.s32 @!p0 s3, s7;
	s7 =	simm.s32 @!p0 $0x108  }
0x21: {  	s3 =	sadd.s32 s3, s9;
	s6 =	sadd.s32 @!p0 $0x88, s6;
	s7 =	simm.s32 @p2 $0x1082  }
0x22: {  	[simem:s7], [sflag:s8] =	dma.local @!p0 [hbm:s6], $0xF7A  }
0x23: {  	s9 =	sor.u32 $0xD0000000, s2;
	s6 =	simm.s32 $0x108;
	_ =	swait.ge @!p0 [sflag:s8], $0x0  }
0x24: {  	s3 =	sadd.s32 $0x88, s3;
	s6 =	simm.s32 @!p1 $0x1082;
	[sflag:s4] =	ssyncset.s32 $0xFFFFF086  }
0x25: {  	[simem:s6], [sflag:s4] =	dma.local [hbm:s3], $0xF7A  }
0x26: {  	[smem:$0x3F9D] =	sst s1;
	(tag) =	ssettag s2;
	_ =	strace s9  }
0x27: {  	s1 =	sld [smem:$0x3FAD]  }
0x28: {  	s2 =	sld [smem:$0x3FAE]  }
0x29: {  	s4 =	sld [smem:$0x3FB0]  }
0x2a: {  	p0 =	seq.s32 s5, $0x0;
	s5 =	sld [smem:$0x3FB1]  }
0x2b: {  	s6 =	sld [smem:$0x3FB2]  }
0x2c: {  	s7 =	sld [smem:$0x3FB3]  }
0x2d: {  	s3 =	simm.s32 $0x108;
	s8 =	sld [smem:$0x3FB4]  }
0x2e: {  	s3 =	simm.s32 @!p0 $0x1082;
	s9 =	sld [smem:$0x3FB5]  }
0x2f: {  	lr =	sadd.s32 s0, s3;
	s0 =	sld [smem:$0x3FAC]  }
0x30: {  	s3 =	sld [smem:$0x3FAF]  }
0x31: {  	[smem:$0x3FB8] =	sst s10  }
0x32: {  	s10 =	sld [smem:$0x3FB6];
	_ =	sdelay $0x3  }
0x33: {  	p0 =	seq.s32 s10, $0x1;
	s10 =	sld [smem:$0x3FB8];
	_ =	sdelay $0x3  }
0x34: {  	[smem:$0x3FB8] =	sst s10  }
0x35: {  	s10 =	sld [smem:$0x3FB7];
	_ =	sdelay $0x3  }
0x36: {  	p1 =	seq.s32 s10, $0x1;
	s10 =	sld [smem:$0x3FB8];
	_ =	sdelay $0x3  }
0x37: {  	[smem:$0x3FB8] =	sst s10  }
0x38: {  	s10 =	sld [smem:$0x3FB9]  }
0x39: {  	_ = 	snop;
	(pc) =	sbr.ind lr, $3  }
0x3a: {  	_ = 	snop  }
0x3b: {  	_ = 	snop  }
0x3c: {  	p2 =	seq.s32 s10, $0x1;
	s10 =	sld [smem:$0x3FB8]  }
0x3d: {  	_ =	shalt  }
0x3e: {  	_ =	shalt  }
0x3f: {  	_ =	shalt  }
0x40: {  	_ =	shalt  }
0x41: {  	_ =	shalt  }
0x42: {  	_ =	shalt  }
0x43: {  	_ =	shalt  }
0x44: {  	_ =	shalt  }
0x45: {  	_ =	shalt  }
0x46: {  	_ =	shalt  }
0x47: {  	_ =	shalt  }
0x48: {  	_ =	shalt  }
0x49: {  	_ =	shalt  }
0x4a: {  	_ =	shalt  }
0x4b: {  	_ =	shalt  }
0x4c: {  	_ =	shalt  }
0x4d: {  	_ =	shalt  }
0x4e: {  	_ =	shalt  }
0x4f: {  	_ =	shalt  }
0x50: {  	_ =	shalt  }
0x51: {  	_ =	shalt  }
0x52: {  	_ =	shalt  }
0x53: {  	_ =	shalt  }
0x54: {  	_ =	shalt  }
0x55: {  	_ =	shalt  }
0x56: {  	_ =	shalt  }
0x57: {  	_ =	shalt  }
0x58: {  	_ =	shalt  }
0x59: {  	_ =	shalt  }
0x5a: {  	_ =	shalt  }
0x5b: {  	_ =	shalt  }
0x5c: {  	_ =	shalt  }
0x5d: {  	_ =	shalt  }
0x5e: {  	_ =	shalt  }
0x5f: {  	_ =	shalt  }
0x60: {  	_ =	shalt  }
0x61: {  	_ =	shalt  }
0x62: {  	_ =	shalt  }
0x63: {  	_ =	shalt  }
0x64: {  	_ =	shalt  }
0x65: {  	_ =	shalt  }
0x66: {  	_ =	shalt  }
0x67: {  	_ =	shalt  }
0x68: {  	_ =	shalt  }
0x69: {  	_ =	shalt  }
0x6a: {  	_ =	shalt  }
0x6b: {  	_ =	shalt  }
0x6c: {  	_ =	shalt  }
0x6d: {  	_ =	shalt  }
0x6e: {  	_ =	shalt  }
0x6f: {  	_ =	shalt  }
0x70: {  	_ =	shalt  }
0x71: {  	_ =	shalt  }
0x72: {  	_ =	shalt  }
0x73: {  	_ =	shalt  }
0x74: {  	_ =	shalt  }
0x75: {  	_ =	shalt  }
0x76: {  	_ =	shalt  }
0x77: {  	_ =	shalt  }
0x78: {  	_ =	shalt  }
0x79: {  	_ =	shalt  }
0x7a: {  	_ =	shalt  }
0x7b: {  	_ =	shalt  }
0x7c: {  	_ =	shalt  }
0x7d: {  	_ =	shalt  }
0x7e: {  	_ =	shalt  }
0x7f: {  	_ =	shalt  }
0x80: {  	_ =	shalt  }
0x81: {  	_ =	shalt  }
0x82: {  	_ =	shalt  }
0x83: {  	_ =	shalt  }
0x84: {  	_ =	shalt  }
0x85: {  	_ =	shalt  }
0x86: {  	_ =	shalt  }
0x87: {  	_ =	shalt  }
.Lfunc_end0:
.L_simem_size_0:
called_computation_lowered:
.L_overlay_start_0:
0x88: {  	s2 =	sld [smem:$0x3FD9]  }
0x89: {  	s3 =	sld [smem:$0x3FFE];
	_ =	sdelay $0x1  }
0x8a: {  	s1 =	srdreg.scid  }
0x8b: {  	s0 =	sand.u32 $0x1, s1  }
0x8c: {  	s17 =	sshll.u32 s0, $0xA;
	s2 =	sadd.s32 s3, s2  }
0x8d: {  	s2 =	sadd.s32 s2, s17  }
0x8e: {  	[smem:$0x3FC4] =	sst s2  }
0x8f: {  	_ = 	snop  }
0x90: {  	s2 =	sld [smem:$0x3FC9]  }
0x91: {  	s18 =	sld [smem:$0x3FD0];
	(tm) =	ssettm $0x1  }
0x92: {  	s4 =	sld [smem:$0x3FFB];
	_ =	sdelay $0x3  }
0x93: {  	_ =	strace s4  }
0x94: {  	s4 =	sld [smem:$0x3FFC];
	_ =	sdelay $0x3  }
0x95: {  	_ =	strace s4  }
0x96: {  	s4 =	sld [smem:$0x3FFD];
	_ =	sdelay $0x3  }
0x97: {  	_ =	strace s4  }
0x98: {  	_ =	strace $0x8FFFFFFF  }
0x99: {  	s19 =	sld [smem:$0x3FDB];
	_ =	sdelay $0x1  }
0x9a: {  	s5 =	simm.s32 $_scs_section_size  }
0x9b: {  	s6 =	simm.s32 $_size__tile_overlayer_lowered;
	s7 =	simm.s32 $_tile_overlayer_lowered  }
0x9c: {  	s22 =	simm.s32 $0x1BFF;
	s21 =	sshll.u32 s7, $0x1;
	s4 =	sadd.s32 s5, s19  }
0x9d: {  	s8 =	simm.s32 $0x0;
	s20 =	sshll.u32 s6, $0x1;
	s6 =	sadd.s32 s21, s4  }
0x9e: {  	[timem:s8], [sflag:s22] =	dma.local [hbm:s6], s20  }
0x9f: {  	_ =	swait.ge [sflag:s22], s20  }
0xa0: {  	s5 =	ssub.s32 $0x0, s20;
	[sflag:s22] =	ssyncset.done $0x0  }
0xa1: {  	[sflag:s22] =	ssyncadd.s32 s5;
	_ =	sdelay $0x1  }
0xa2: {  	s23 =	simm.s32 $0x1B8B  }
0xa3: {  	_ =	swait.ge [sflag:s23], $0x1  }
0xa4: {  	[sflag:s23] =	ssyncset.done $0x0  }
0xa5: {  	s25 =	simm.s32 $0x1B8E;
	s24 =	sld [smem:$0x3FFE];
	[sflag:s23] =	ssyncadd.s32 $0xFFFFFFFF  }
0xa6: {  	s26 =	simm.s32 $execute0_lowered;
	[smem:$0x3FD2] =	sst s25  }
0xa7: {  	s6 =	sshll.u32 s26, $0x1;
	_ =	strace $0x80000046;
	[dreg:$0x1] =	wrdreg $0xFFFFFFFF  }
0xa8: {  	s28 =	simm.s32 $_size_execute0_lowered;
	s4 =	sadd.s32 s4, s6;
	[dreg:$0x0] =	wrdreg $0x0  }
0xa9: {  	s6 =	sshll.u32 s28, $0x1;
	[dreg:$0x2] =	wrdreg s4  }
0xaa: {  	[dreg:$0x3] =	wrdreg s6  }
0xab: {  	[dreg:$0x4] =	wrdreg $0xC0  }
0xac: {  	_ =	task [dreg:s8], $0x5FFFF  }
0xad: {  	[dreg:$0x1] =	wrdreg $0xFFFFFFFF  }
0xae: {  	[dreg:$0x0] =	wrdreg $0x60  }
0xaf: {  	[dreg:$0x2] =	wrdreg s2  }
0xb0: {  	[dreg:$0x3] =	wrdreg s24  }
0xb1: {  	[dreg:$0x4] =	wrdreg s18  }
0xb2: {  	[dreg:$0x5] =	wrdreg $0x9  }
0xb3: {  	_ =	task.clear_ibuf [dreg:s8], $0x6FFFF;
	_ =	strace $0x90000046  }
0xb4: {  	s29 =	simm.s32 $0x9;
	_ =	strace $0x80000048  }
0xb5: {  	_ =	swait.ge [sflag:s29], $0x1  }
0xb6: {  	[sflag:s29] =	ssyncadd.s32 $0xFFFFFFFF  }
0xb7: {  	_ =	strace $0x90000048  }
0xb8: {  	_ =	sfence  }
0xb9: {  	s30 =	sld [smem:$0x0];
	_ =	sdelay $0x2  }
0xba: {  	s31 =	sshll.u32 s1, $0xD;
	s1 =	sshrl.u32 s1, $0x2  }
0xbb: {  	s3 =	sand.u32 $0x4000, s31;
	s1 =	sadd.s32 s1, s30  }
0xbc: {  	s0 =	sor.u32 s3, s0;
	s1 =	sshll.u32 s1, $0x11  }
0xbd: {  	s0 =	sor.u32 s1, s0  }
0xbe: {  	s0 =	sadd.s32 $0x8F2B, s0  }
0xbf: {  	[sflag:s0] =	ssyncadd.remote.s32 $0x1  }
0xc0: {  	_ =	sfence.sel $0xFFFF  }
0xc1: {  	[dreg:$0x0] =	wrdreg $0xFFFFFFFF;
	(pc) =	sbr.abs _section_cstart, $3  }
0xc2: {  	[dreg:$0x1] =	wrdreg $0xFFFFFFFF  }
0xc3: {  	_ =	task.clear_ibuf [dreg:s8], $0x2FFFF;
	_ =	strace $0x9FFFFFFF  }
0xc4: {  	(tm) =	ssettm $0x7FFFFFFF  }
0xc5: {  	_ =	shalt  }
tec
execute0_lowered:
.L_overlay_start_1:
0x0: {  	(tag) =	ssettag $0x1  }
0x1: {  	s1 =	rddreg [dreg:$0x0]  }
0x2: {  	s0 =	rddreg [dreg:$0x1]  }
0x3: {  	s3 =	rddreg [dreg:$0x2];
	s2 =	simm.s32 $0x0;
	s4 =	srdreg.scid  }
0x4: {  	s7 =	stileid.u32;
	s16 =	simm.s32 $0x900;
	s17 =	simm.s32 $0x1100  }
0x5: {  	s18 =	simm.s32 $0x1900;
	s19 =	simm.s32 $0x2100;
	s20 =	simm.s32 $0x2900  }
0x6: {  	s21 =	simm.s32 $0x3100;
	s22 =	simm.s32 $0x3900;
	s28 =	simm.s32 $0x6900  }
0x7: {  	s13 =	simm.s32 $0x7100;
	s14 =	simm.s32 $0x7900;
	s31 =	simm.s32 $0x8100  }
0x8: {  	s30 =	simm.s32 $0x2;
	[smem:$0x7FF] =	sst s2;
	s4 =	sand.u32 $0x1, s4  }
0x9: {  	s0 =	sadd.s32 $0xC00, s0;
	s7 =	sshll.u32 s7, $0x1;
	s8 =	sadd.s32 $0x400, s1  }
0xa: {  	s9 =	sadd.s32 $0x500, s1;
	s10 =	sadd.s32 $0x600, s1;
	s11 =	sadd.s32 $0x700, s1  }
0xb: {  	_ =	strace $0x80000047;
	s5 =	ssub.s32 $0x2, s4;
	[dreg:$0x4] =	wrdreg s0  }
0xc: {  	s24 =	sor.u32 s4, s7;
	s4 =	sadd.s32 $0x100, s1;
	s6 =	sshrl.u32 s5, $0x1  }
0xd: {  	s25 =	sshll.u32 s24, $0xB;
	s7 =	sshll.u32 s24, $0xE;
	s24 =	simm.s32 $0x5100  }
0xe: {  	s23 =	ssub.s32 s5, s6;
	s5 =	sadd.s32 $0x200, s1;
	s7 =	sadd.s32 s3, s7  }
0xf: {  	s6 =	sadd.s32 $0x300, s1;
	s3 =	sadd.s32 $0x1000, s7;
	[dreg:$0x8] =	wrdreg s7  }
0x10: {  	v3 =	vlaneseq.u32;
	v0 =	vmov s25;
	s25 =	simm.s32 $0x5900;
	s26 =	sadd.s32 $0x2000, s7;
	[dreg:$0x5] =	wrdreg s3  }
0x11: {  	vm0 =	vmmov $0xffff;
	v2 =	vshrl.u32 v3, $0x3;
	s29 =	sadd.s32 $0x3000, s7;
	s12 =	smax.u32 s23, $0x1;
	[dreg:$0x6] =	wrdreg s26  }
0x12: {  	v1 =	vand.u32 $0x7, v3;
	v3 =	vor.u32 $0x8, v3;
	v2 =	vmul.u32 $0x8, v2;
	s23 =	simm.s32 $0x4100;
	[dreg:$0x7] =	wrdreg s29;
	s26 =	simm.s32 $0x6100  }
.LBB2_1:
0x13: {  	s15 =	rddreg [dreg:$0x4];
	s7 =	simm.s32 $0x5  }
0x14: {  	[tilespmem:s2], [sflag:$0x5] =	stream.linear.gather [hbm4b:s15+s2], $0x80, $0x38;
	[tilespmem:$0x10100] =	vst v63  }
0x15: {  	_ =	swait.ge [sflag:s7], $0x80  }
0x16: {  	[sflag:s7] =	ssyncset.done $0x0  }
0x17: {  	[sflag:s7] =	ssyncadd.s32 $0xFFFFFF80  }
0x18: {  	v4 =	vld [tilespmem:$0x0];
	_ =	sdelay $0x4  }
0x19: {  	v5 =	vadd.s32 v0, v4  }
0x1a: {  	v6 =	vshll.u32 v5, $0x4  }
0x1b: {  	v7 =	vld [tilespmem:$0x10];
	v4 =	vand.u32 $0x7, v4;
	v6 =	vand.u32 $0xFFFFFF80, v6  }
0x1c: {  	v8 =	vld [tilespmem:$0x20];
	v4 =	vor.u32 v4, v6  }
0x1d: {  	v63 =	vld [tilespmem:$0x30];
	v9 =	vperm.xlane v4, v1;
	_ =	sdelay $0x1  }
0x1e: {  	v9 =	vadd.s32 v2, v9  }
0x1f: {  	[tilespmem:$0x80] =	vst v5;
	v5 =	vadd.s32 v0, v7  }
0x20: {  	[tilespmem:$0x90] =	vst v5;
	v5 =	vadd.s32 v0, v8  }
0x21: {  	[tilespmem:$0xA0] =	vst v5;
	v5 =	vadd.s32 v0, v63  }
0x22: {  	s0 =	simm.s32 $0x100;
	s29 =	rddreg [dreg:$0x0];
	[tilespmem:$0xB0] =	vst v5  }
0x23: {  	[tilespmem:s0], [sflag:$0x1] =	stream.indirect_vreg.gather [hbm4b:s29+s2], $0x80, v9, vm0, $0xb8;
	[tilespmem:$0x10100] =	vst v63  }
0x24: {  	_ = 	snop  }
0x25: {  	[tilespmem:s16], [sflag:$0x1] =	stream.indirect_vreg.gather [hbm4b:s4+s2], $0x80, v9, vm0, $0xb8;
	[tilespmem:$0x10100] =	vst v63  }
0x26: {  	_ = 	snop  }
0x27: {  	[tilespmem:s17], [sflag:$0x1] =	stream.indirect_vreg.gather [hbm4b:s5+s2], $0x80, v9, vm0, $0xb8;
	[tilespmem:$0x10100] =	vst v63  }
0x28: {  	_ = 	snop  }
0x29: {  	[tilespmem:s18], [sflag:$0x1] =	stream.indirect_vreg.gather [hbm4b:s6+s2], $0x80, v9, vm0, $0xb8;
	[tilespmem:$0x10100] =	vst v63  }
0x2a: {  	_ = 	snop  }
0x2b: {  	[tilespmem:s19], [sflag:$0x1] =	stream.indirect_vreg.gather [hbm4b:s8+s2], $0x80, v9, vm0, $0xb8;
	[tilespmem:$0x10100] =	vst v63  }
0x2c: {  	v4 =	vperm.xlane v4, v3  }
0x2d: {  	[tilespmem:s20], [sflag:$0x1] =	stream.indirect_vreg.gather [hbm4b:s9+s2], $0x80, v9, vm0, $0xb8;
	[tilespmem:$0x10100] =	vst v63  }
0x2e: {  	v4 =	vadd.s32 v2, v4  }
0x2f: {  	[tilespmem:s21], [sflag:$0x1] =	stream.indirect_vreg.gather [hbm4b:s10+s2], $0x80, v9, vm0, $0xb8;
	[tilespmem:$0x10100] =	vst v63  }
0x30: {  	_ = 	snop  }
0x31: {  	[tilespmem:s22], [sflag:$0x1] =	stream.indirect_vreg.gather [hbm4b:s11+s2], $0x80, v9, vm0, $0xb8;
	[tilespmem:$0x10100] =	vst v63  }
0x32: {  	_ = 	snop  }
0x33: {  	[tilespmem:s23], [sflag:$0x1] =	stream.indirect_vreg.gather [hbm4b:s29+s2], $0x80, v4, vm0, $0xb8;
	[tilespmem:$0x10100] =	vst v63  }
0x34: {  	s7 =	simm.s32 $0x4900  }
0x35: {  	[tilespmem:s7], [sflag:$0x1] =	stream.indirect_vreg.gather [hbm4b:s4+s2], $0x80, v4, vm0, $0xb8;
	[tilespmem:$0x10100] =	vst v63  }
0x36: {  	_ = 	snop  }
0x37: {  	[tilespmem:s24], [sflag:$0x1] =	stream.indirect_vreg.gather [hbm4b:s5+s2], $0x80, v4, vm0, $0xb8;
	[tilespmem:$0x10100] =	vst v63  }
0x38: {  	_ = 	snop  }
0x39: {  	[tilespmem:s25], [sflag:$0x1] =	stream.indirect_vreg.gather [hbm4b:s6+s2], $0x80, v4, vm0, $0xb8;
	[tilespmem:$0x10100] =	vst v63  }
0x3a: {  	_ = 	snop  }
0x3b: {  	[tilespmem:s26], [sflag:$0x1] =	stream.indirect_vreg.gather [hbm4b:s8+s2], $0x80, v4, vm0, $0xb8;
	[tilespmem:$0x10100] =	vst v63  }
0x3c: {  	_ = 	snop  }
0x3d: {  	[tilespmem:s28], [sflag:$0x1] =	stream.indirect_vreg.gather [hbm4b:s9+s2], $0x80, v4, vm0, $0xb8;
	[tilespmem:$0x10100] =	vst v63  }
0x3e: {  	_ = 	snop  }
0x3f: {  	[tilespmem:s13], [sflag:$0x1] =	stream.indirect_vreg.gather [hbm4b:s10+s2], $0x80, v4, vm0, $0xb8;
	[tilespmem:$0x10100] =	vst v63  }
0x40: {  	s1 =	simm.s32 $0x1  }
0x41: {  	[tilespmem:s14], [sflag:$0x1] =	stream.indirect_vreg.gather [hbm4b:s11+s2], $0x80, v4, vm0, $0xb8;
	[tilespmem:$0x10100] =	vst v63  }
0x42: {  	_ =	swait.ge [sflag:s1], $0x8000  }
0x43: {  	[sflag:s1] =	ssyncset.done $0x0  }
0x44: {  	s3 =	rddreg [dreg:$0x8];
	[sflag:s1] =	ssyncadd.s32 $0xFFFF8000  }
0x45: {  	[hbm4b:s3+s2] =	stream.linear.scatter [tilespmem:s0], [sflag:$0x3], $0x8000, $0x38;
	[tilespmem:$0x10100] =	vst v63  }
0x46: {  	v4 =	vld [tilespmem:$0x90];
	_ =	sdelay $0x4  }
0x47: {  	v5 =	vshll.u32 v4, $0x4  }
0x48: {  	v4 =	vand.u32 $0x7, v4;
	v5 =	vand.u32 $0xFFFFFF80, v5  }
0x49: {  	v4 =	vor.u32 v4, v5  }
0x4a: {  	v5 =	vperm.xlane v4, v1;
	_ =	sdelay $0x1  }
0x4b: {  	v5 =	vadd.s32 v2, v5;
	_ =	sdelay $0x4  }
0x4c: {  	[tilespmem:s31], [sflag:$0x2] =	stream.indirect_vreg.gather [hbm4b:s29+s2], $0x80, v5, vm0, $0xb8;
	[tilespmem:$0x10100] =	vst v63  }
0x4d: {  	s3 =	simm.s32 $0x8900  }
0x4e: {  	[tilespmem:s3], [sflag:$0x2] =	stream.indirect_vreg.gather [hbm4b:s4+s2], $0x80, v5, vm0, $0xb8;
	[tilespmem:$0x10100] =	vst v63  }
0x4f: {  	s15 =	simm.s32 $0x9100  }
0x50: {  	[tilespmem:s15], [sflag:$0x2] =	stream.indirect_vreg.gather [hbm4b:s5+s2], $0x80, v5, vm0, $0xb8;
	[tilespmem:$0x10100] =	vst v63  }
0x51: {  	s15 =	simm.s32 $0x9900  }
0x52: {  	[tilespmem:s15], [sflag:$0x2] =	stream.indirect_vreg.gather [hbm4b:s6+s2], $0x80, v5, vm0, $0xb8;
	[tilespmem:$0x10100] =	vst v63  }
0x53: {  	s15 =	simm.s32 $0xA100  }
0x54: {  	[tilespmem:s15], [sflag:$0x2] =	stream.indirect_vreg.gather [hbm4b:s8+s2], $0x80, v5, vm0, $0xb8;
	[tilespmem:$0x10100] =	vst v63  }
0x55: {  	v4 =	vperm.xlane v4, v3;
	s15 =	simm.s32 $0xA900  }
0x56: {  	[tilespmem:s15], [sflag:$0x2] =	stream.indirect_vreg.gather [hbm4b:s9+s2], $0x80, v5, vm0, $0xb8;
	[tilespmem:$0x10100] =	vst v63  }
0x57: {  	v4 =	vadd.s32 v2, v4;
	s15 =	simm.s32 $0xB100  }
0x58: {  	[tilespmem:s15], [sflag:$0x2] =	stream.indirect_vreg.gather [hbm4b:s10+s2], $0x80, v5, vm0, $0xb8;
	[tilespmem:$0x10100] =	vst v63  }
0x59: {  	s15 =	simm.s32 $0xB900  }
0x5a: {  	[tilespmem:s15], [sflag:$0x2] =	stream.indirect_vreg.gather [hbm4b:s11+s2], $0x80, v5, vm0, $0xb8;
	[tilespmem:$0x10100] =	vst v63  }
0x5b: {  	s15 =	simm.s32 $0xC100  }
0x5c: {  	[tilespmem:s15], [sflag:$0x2] =	stream.indirect_vreg.gather [hbm4b:s29+s2], $0x80, v4, vm0, $0xb8;
	[tilespmem:$0x10100] =	vst v63  }
0x5d: {  	s15 =	simm.s32 $0xC900  }
0x5e: {  	[tilespmem:s15], [sflag:$0x2] =	stream.indirect_vreg.gather [hbm4b:s4+s2], $0x80, v4, vm0, $0xb8;
	[tilespmem:$0x10100] =	vst v63  }
0x5f: {  	s15 =	simm.s32 $0xD100  }
0x60: {  	[tilespmem:s15], [sflag:$0x2] =	stream.indirect_vreg.gather [hbm4b:s5+s2], $0x80, v4, vm0, $0xb8;
	[tilespmem:$0x10100] =	vst v63  }
0x61: {  	s15 =	simm.s32 $0xD900  }
0x62: {  	[tilespmem:s15], [sflag:$0x2] =	stream.indirect_vreg.gather [hbm4b:s6+s2], $0x80, v4, vm0, $0xb8;
	[tilespmem:$0x10100] =	vst v63  }
0x63: {  	s15 =	simm.s32 $0xE100  }
0x64: {  	[tilespmem:s15], [sflag:$0x2] =	stream.indirect_vreg.gather [hbm4b:s8+s2], $0x80, v4, vm0, $0xb8;
	[tilespmem:$0x10100] =	vst v63  }
0x65: {  	s15 =	simm.s32 $0xE900  }
0x66: {  	[tilespmem:s15], [sflag:$0x2] =	stream.indirect_vreg.gather [hbm4b:s9+s2], $0x80, v4, vm0, $0xb8;
	[tilespmem:$0x10100] =	vst v63  }
0x67: {  	s15 =	simm.s32 $0xF100  }
0x68: {  	[tilespmem:s15], [sflag:$0x2] =	stream.indirect_vreg.gather [hbm4b:s10+s2], $0x80, v4, vm0, $0xb8;
	[tilespmem:$0x10100] =	vst v63  }
0x69: {  	s15 =	simm.s32 $0xF900  }
0x6a: {  	[tilespmem:s15], [sflag:$0x2] =	stream.indirect_vreg.gather [hbm4b:s11+s2], $0x80, v4, vm0, $0xb8;
	[tilespmem:$0x10100] =	vst v63  }
0x6b: {  	_ =	swait.ge [sflag:s30], $0x8000  }
0x6c: {  	[sflag:s30] =	ssyncset.done $0x0  }
0x6d: {  	s3 =	rddreg [dreg:$0x5];
	[sflag:s30] =	ssyncadd.s32 $0xFFFF8000  }
0x6e: {  	[hbm4b:s3+s2] =	stream.linear.scatter [tilespmem:s31], [sflag:$0x4], $0x8000, $0x38;
	[tilespmem:$0x10100] =	vst v63  }
0x6f: {  	s3 =	simm.s32 $0x3  }
0x70: {  	_ =	swait.ge [sflag:s3], $0x8000  }
0x71: {  	[sflag:s3] =	ssyncset.done $0x0  }
0x72: {  	[sflag:s3] =	ssyncadd.s32 $0xFFFF8000  }
0x73: {  	v4 =	vld [tilespmem:$0xA0];
	_ =	sdelay $0x4  }
0x74: {  	v5 =	vshll.u32 v4, $0x4  }
0x75: {  	v4 =	vand.u32 $0x7, v4;
	v5 =	vand.u32 $0xFFFFFF80, v5  }
0x76: {  	v4 =	vor.u32 v4, v5  }
0x77: {  	v5 =	vperm.xlane v4, v1;
	_ =	sdelay $0x1  }
0x78: {  	v5 =	vadd.s32 v2, v5;
	_ =	sdelay $0x4  }
0x79: {  	[tilespmem:s0], [sflag:$0x1] =	stream.indirect_vreg.gather [hbm4b:s29+s2], $0x80, v5, vm0, $0xb8;
	[tilespmem:$0x10100] =	vst v63  }
0x7a: {  	_ = 	snop  }
0x7b: {  	[tilespmem:s16], [sflag:$0x1] =	stream.indirect_vreg.gather [hbm4b:s4+s2], $0x80, v5, vm0, $0xb8;
	[tilespmem:$0x10100] =	vst v63  }
0x7c: {  	_ = 	snop  }
0x7d: {  	[tilespmem:s17], [sflag:$0x1] =	stream.indirect_vreg.gather [hbm4b:s5+s2], $0x80, v5, vm0, $0xb8;
	[tilespmem:$0x10100] =	vst v63  }
0x7e: {  	_ = 	snop  }
0x7f: {  	[tilespmem:s18], [sflag:$0x1] =	stream.indirect_vreg.gather [hbm4b:s6+s2], $0x80, v5, vm0, $0xb8;
	[tilespmem:$0x10100] =	vst v63  }
0x80: {  	_ = 	snop  }
0x81: {  	[tilespmem:s19], [sflag:$0x1] =	stream.indirect_vreg.gather [hbm4b:s8+s2], $0x80, v5, vm0, $0xb8;
	[tilespmem:$0x10100] =	vst v63  }
0x82: {  	v4 =	vperm.xlane v4, v3  }
0x83: {  	[tilespmem:s20], [sflag:$0x1] =	stream.indirect_vreg.gather [hbm4b:s9+s2], $0x80, v5, vm0, $0xb8;
	[tilespmem:$0x10100] =	vst v63  }
0x84: {  	v4 =	vadd.s32 v2, v4  }
0x85: {  	[tilespmem:s21], [sflag:$0x1] =	stream.indirect_vreg.gather [hbm4b:s10+s2], $0x80, v5, vm0, $0xb8;
	[tilespmem:$0x10100] =	vst v63  }
0x86: {  	_ = 	snop  }
0x87: {  	[tilespmem:s22], [sflag:$0x1] =	stream.indirect_vreg.gather [hbm4b:s11+s2], $0x80, v5, vm0, $0xb8;
	[tilespmem:$0x10100] =	vst v63  }
0x88: {  	_ = 	snop  }
0x89: {  	[tilespmem:s23], [sflag:$0x1] =	stream.indirect_vreg.gather [hbm4b:s29+s2], $0x80, v4, vm0, $0xb8;
	[tilespmem:$0x10100] =	vst v63  }
0x8a: {  	_ = 	snop  }
0x8b: {  	[tilespmem:s7], [sflag:$0x1] =	stream.indirect_vreg.gather [hbm4b:s4+s2], $0x80, v4, vm0, $0xb8;
	[tilespmem:$0x10100] =	vst v63  }
0x8c: {  	_ = 	snop  }
0x8d: {  	[tilespmem:s24], [sflag:$0x1] =	stream.indirect_vreg.gather [hbm4b:s5+s2], $0x80, v4, vm0, $0xb8;
	[tilespmem:$0x10100] =	vst v63  }
0x8e: {  	_ = 	snop  }
0x8f: {  	[tilespmem:s25], [sflag:$0x1] =	stream.indirect_vreg.gather [hbm4b:s6+s2], $0x80, v4, vm0, $0xb8;
	[tilespmem:$0x10100] =	vst v63  }
0x90: {  	_ = 	snop  }
0x91: {  	[tilespmem:s26], [sflag:$0x1] =	stream.indirect_vreg.gather [hbm4b:s8+s2], $0x80, v4, vm0, $0xb8;
	[tilespmem:$0x10100] =	vst v63  }
0x92: {  	_ = 	snop  }
0x93: {  	[tilespmem:s28], [sflag:$0x1] =	stream.indirect_vreg.gather [hbm4b:s9+s2], $0x80, v4, vm0, $0xb8;
	[tilespmem:$0x10100] =	vst v63  }
0x94: {  	_ = 	snop  }
0x95: {  	[tilespmem:s13], [sflag:$0x1] =	stream.indirect_vreg.gather [hbm4b:s10+s2], $0x80, v4, vm0, $0xb8;
	[tilespmem:$0x10100] =	vst v63  }
0x96: {  	_ = 	snop  }
0x97: {  	[tilespmem:s14], [sflag:$0x1] =	stream.indirect_vreg.gather [hbm4b:s11+s2], $0x80, v4, vm0, $0xb8;
	[tilespmem:$0x10100] =	vst v63  }
0x98: {  	_ =	swait.ge [sflag:s1], $0x8000  }
0x99: {  	[sflag:s1] =	ssyncset.done $0x0  }
0x9a: {  	s7 =	rddreg [dreg:$0x6];
	[sflag:s1] =	ssyncadd.s32 $0xFFFF8000  }
0x9b: {  	[hbm4b:s7+s2] =	stream.linear.scatter [tilespmem:s0], [sflag:$0x3], $0x8000, $0x38;
	[tilespmem:$0x10100] =	vst v63  }
0x9c: {  	s0 =	simm.s32 $0x4  }
0x9d: {  	_ =	swait.ge [sflag:s0], $0x8000  }
0x9e: {  	[sflag:s0] =	ssyncset.done $0x0  }
0x9f: {  	[sflag:s0] =	ssyncadd.s32 $0xFFFF8000  }
0xa0: {  	v4 =	vld [tilespmem:$0xB0];
	_ =	sdelay $0x4  }
0xa1: {  	v5 =	vshll.u32 v4, $0x4  }
0xa2: {  	v4 =	vand.u32 $0x7, v4;
	v5 =	vand.u32 $0xFFFFFF80, v5  }
0xa3: {  	v4 =	vor.u32 v4, v5  }
0xa4: {  	v5 =	vperm.xlane v4, v1;
	_ =	sdelay $0x1  }
0xa5: {  	v5 =	vadd.s32 v2, v5;
	_ =	sdelay $0x4  }
0xa6: {  	[tilespmem:s31], [sflag:$0x2] =	stream.indirect_vreg.gather [hbm4b:s29+s2], $0x80, v5, vm0, $0xb8;
	[tilespmem:$0x10100] =	vst v63  }
0xa7: {  	s15 =	simm.s32 $0x8900  }
0xa8: {  	[tilespmem:s15], [sflag:$0x2] =	stream.indirect_vreg.gather [hbm4b:s4+s2], $0x80, v5, vm0, $0xb8;
	[tilespmem:$0x10100] =	vst v63  }
0xa9: {  	s7 =	simm.s32 $0x9100  }
0xaa: {  	[tilespmem:s7], [sflag:$0x2] =	stream.indirect_vreg.gather [hbm4b:s5+s2], $0x80, v5, vm0, $0xb8;
	[tilespmem:$0x10100] =	vst v63  }
0xab: {  	s15 =	simm.s32 $0x9900  }
0xac: {  	[tilespmem:s15], [sflag:$0x2] =	stream.indirect_vreg.gather [hbm4b:s6+s2], $0x80, v5, vm0, $0xb8;
	[tilespmem:$0x10100] =	vst v63  }
0xad: {  	s7 =	simm.s32 $0xA100  }
0xae: {  	[tilespmem:s7], [sflag:$0x2] =	stream.indirect_vreg.gather [hbm4b:s8+s2], $0x80, v5, vm0, $0xb8;
	[tilespmem:$0x10100] =	vst v63  }
0xaf: {  	v4 =	vperm.xlane v4, v3;
	s15 =	simm.s32 $0xA900  }
0xb0: {  	[tilespmem:s15], [sflag:$0x2] =	stream.indirect_vreg.gather [hbm4b:s9+s2], $0x80, v5, vm0, $0xb8;
	[tilespmem:$0x10100] =	vst v63  }
0xb1: {  	v4 =	vadd.s32 v2, v4;
	s7 =	simm.s32 $0xB100  }
0xb2: {  	[tilespmem:s7], [sflag:$0x2] =	stream.indirect_vreg.gather [hbm4b:s10+s2], $0x80, v5, vm0, $0xb8;
	[tilespmem:$0x10100] =	vst v63  }
0xb3: {  	s15 =	simm.s32 $0xB900  }
0xb4: {  	[tilespmem:s15], [sflag:$0x2] =	stream.indirect_vreg.gather [hbm4b:s11+s2], $0x80, v5, vm0, $0xb8;
	[tilespmem:$0x10100] =	vst v63  }
0xb5: {  	s7 =	simm.s32 $0xC100  }
0xb6: {  	[tilespmem:s7], [sflag:$0x2] =	stream.indirect_vreg.gather [hbm4b:s29+s2], $0x80, v4, vm0, $0xb8;
	[tilespmem:$0x10100] =	vst v63  }
0xb7: {  	s15 =	simm.s32 $0xC900  }
0xb8: {  	[tilespmem:s15], [sflag:$0x2] =	stream.indirect_vreg.gather [hbm4b:s4+s2], $0x80, v4, vm0, $0xb8;
	[tilespmem:$0x10100] =	vst v63  }
0xb9: {  	s29 =	simm.s32 $0xD100  }
0xba: {  	[tilespmem:s29], [sflag:$0x2] =	stream.indirect_vreg.gather [hbm4b:s5+s2], $0x80, v4, vm0, $0xb8;
	[tilespmem:$0x10100] =	vst v63  }
0xbb: {  	s7 =	simm.s32 $0xD900  }
0xbc: {  	[tilespmem:s7], [sflag:$0x2] =	stream.indirect_vreg.gather [hbm4b:s6+s2], $0x80, v4, vm0, $0xb8;
	[tilespmem:$0x10100] =	vst v63  }
0xbd: {  	s15 =	simm.s32 $0xE100  }
0xbe: {  	[tilespmem:s15], [sflag:$0x2] =	stream.indirect_vreg.gather [hbm4b:s8+s2], $0x80, v4, vm0, $0xb8;
	[tilespmem:$0x10100] =	vst v63  }
0xbf: {  	s29 =	simm.s32 $0xE900  }
0xc0: {  	[tilespmem:s29], [sflag:$0x2] =	stream.indirect_vreg.gather [hbm4b:s9+s2], $0x80, v4, vm0, $0xb8;
	[tilespmem:$0x10100] =	vst v63  }
0xc1: {  	s7 =	simm.s32 $0xF100  }
0xc2: {  	[tilespmem:s7], [sflag:$0x2] =	stream.indirect_vreg.gather [hbm4b:s10+s2], $0x80, v4, vm0, $0xb8;
	[tilespmem:$0x10100] =	vst v63  }
0xc3: {  	s15 =	simm.s32 $0xF900  }
0xc4: {  	[tilespmem:s15], [sflag:$0x2] =	stream.indirect_vreg.gather [hbm4b:s11+s2], $0x80, v4, vm0, $0xb8;
	[tilespmem:$0x10100] =	vst v63  }
0xc5: {  	_ =	swait.ge [sflag:s30], $0x8000  }
0xc6: {  	[sflag:s30] =	ssyncset.done $0x0  }
0xc7: {  	s29 =	rddreg [dreg:$0x7];
	[sflag:s30] =	ssyncadd.s32 $0xFFFF8000  }
0xc8: {  	[hbm4b:s29+s2] =	stream.linear.scatter [tilespmem:s31], [sflag:$0x4], $0x8000, $0x38;
	[tilespmem:$0x10100] =	vst v63  }
0xc9: {  	p0 =	sne.s32 s12, $0x1;
	_ =	swait.ge [sflag:s3], $0x8000  }
.Ltmp0:
0xca: {  	[sflag:s3] =	ssyncset.done $0x0;
	(pc) =	sbr.rel @p0 .LBB2_1-.Ltmp0, $4  }
0xcb: {  	[sflag:s3] =	ssyncadd.s32 $0xFFFF8000  }
0xcc: {  	_ =	swait.ge [sflag:s0], $0x8000  }
0xcd: {  	[sflag:s0] =	ssyncset.done $0x0  }
0xce: {  	s12 =	sadd.s32 $0xFFFFFFFF, s12;
	[sflag:s0] =	ssyncadd.s32 $0xFFFF8000  }
0xcf: {  	_ =	sfence.sel $0x180000  }
0xd0: {  	[bflag:$0x0] =	sbarrier.arrive $0xFFFF  }
0xd1: {  	_ =	strace $0x90000047  }
0xd2: {  	s0 =	stileid.u32;
	[bflag:$0x2] =	sbarrier.arrive $0xFFFF  }
0xd3: {  	p0 =	sne.s32 s0, $0x0;
	s0 =	rddreg [dreg:$0x3]  }
0xd4: {  	s0 =	sadd.s32 @!p0 $0x100000, s0  }
0xd5: {  	[sflag:s0] =	ssyncadd.tile.s32 @!p0 $0x1;
	_ =	shalt  }
.Lfunc_end2:
_tile_overlayer_lowered:
.L_overlay_start_2:
0xd6: {  	(tag) =	ssettag $0x2  }
0xd7: {  	s0 =	rddreg [dreg:$0x0];
	s2 =	stileid.u32  }
0xd8: {  	s1 =	rddreg [dreg:$0x1];
	p0 =	sne.s32 s2, $0x0  }
0xd9: {  	s3 =	rddreg [dreg:$0x2];
	[bflag:$0x3] =	sbarrier.arrive $0xFFFF;
	s2 =	simm.s32 @!p0 $0x1C05  }
0xda: {  	[timem:s3], [sflag:s2] =	dma.local @!p0 [hbm:s0], s1  }
0xdb: {  	s0 =	simm.s32 @!p0 $0x5  }
0xdc: {  	_ =	swait.ge @!p0 [sflag:s0], s1  }
0xdd: {  	s1 =	ssub.s32 @!p0 $0x0, s1;
	[sflag:s0] =	ssyncset.done @!p0 $0x0  }
0xde: {  	[sflag:s0] =	ssyncadd.s32 @!p0 s1  }
0xdf: {  	[bflag:$0x3] =	sbarrier.arrive $0xFFFF  }
0xe0: {  	_ =	shalt  }

</sc_bundles>
